<compile_context>
chip_gen: v7x
topology: tpu7x:2x2x1
jax: 0.10.2.dev20260603
libtpu: 0.0.44.dev20260713+nightly
codegen_flags: <defaults>
</compile_context>

<pallas_src>
import jax
import jax.numpy as jnp
from jax import lax
from jax.experimental import pallas as pl
from jax.experimental.pallas import tpu as pltpu
from jax.experimental.pallas import tpu_sc as plsc

N = 10000
D = 128
H = 16
E = 160000

NS = 16
EPT = E // NS
CH = 80
NCHUNK = EPT // CH
N_PAD = 10240
RPT = N_PAD // NS
RCH = CH
NRCH = RPT // RCH

_ZVEC = 16


def _sc_body(y0_ref, y1_ref, z0_ref, z1_ref,
             src0_ref, dst0_ref, src1_ref, dst1_ref,
             acc_out_ref,
             si0, si1, di0, di1, ro0, ro1, zr0, zr1,
             acc_sh,
             m_si0, m_si1, m_di0, m_di1, m_z0, m_z1,
             m_g0, m_g1, m_y0, m_y1, m_zs0, m_zs1):
    c = lax.axis_index("c")
    s = lax.axis_index("s")
    SI, DI, RO, ZR = (si0, si1), (di0, di1), (ro0, ro1), (zr0, zr1)
    M_SI, M_DI, M_Z = (m_si0, m_si1), (m_di0, m_di1), (m_z0, m_z1)
    M_G, M_Y, M_ZS = (m_g0, m_g1), (m_y0, m_y1), (m_zs0, m_zs1)

    zero = jnp.zeros((_ZVEC,), jnp.float32)

    def zfill(i, _):
        for j in range(D // _ZVEC):
            ro0[i, pl.ds(j * _ZVEC, _ZVEC)] = zero
        return 0

    lax.fori_loop(0, RCH, zfill, 0)
    for k in range(NRCH):
        r0 = s * RPT + k * RCH
        pltpu.sync_copy(ro0, acc_sh.at[pl.ds(r0, RCH)])
    plsc.subcore_barrier()

    def process(y_ref, z_ref, src_ref, dst_ref):
        base = s * EPT

        def issue_loads(j, b):
            off = base + j * CH
            pltpu.async_copy(src_ref.at[pl.ds(off, CH)], SI[b], M_SI[b])
            pltpu.async_copy(dst_ref.at[pl.ds(off, CH)], DI[b], M_DI[b])
            pltpu.async_copy(z_ref.at[pl.ds(off, CH)], ZR[b], M_Z[b])

        def wait_scats(b):
            pltpu.make_async_copy(RO[b], acc_sh.at[pl.ds(0, CH)], M_Y[b]).wait()
            pltpu.make_async_copy(ZR[b], acc_sh.at[pl.ds(0, CH)], M_ZS[b]).wait()

        def step(j, b, first):
            pltpu.make_async_copy(src_ref.at[pl.ds(0, CH)], SI[b], M_SI[b]).wait()
            pltpu.make_async_copy(dst_ref.at[pl.ds(0, CH)], DI[b], M_DI[b]).wait()
            pltpu.make_async_copy(z_ref.at[pl.ds(0, CH)], ZR[b], M_Z[b]).wait()
            pltpu.async_copy(y_ref.at[SI[b]], RO[b], M_G[b])
            if not first:
                wait_scats(1 - b)

            @pl.when(j + 1 < NCHUNK)
            def _():
                issue_loads(j + 1, 1 - b)

            pltpu.make_async_copy(y_ref.at[SI[b]], RO[b], M_G[b]).wait()
            pltpu.async_copy(RO[b], acc_sh.at[DI[b]], M_Y[b], add=True)
            pltpu.async_copy(ZR[b], acc_sh.at[DI[b]], M_ZS[b], add=True)

        issue_loads(0, 0)
        step(0, 0, True)

        def pair(t, _):
            step(2 * t + 1, 1, False)
            step(2 * t + 2, 0, False)
            return 0

        lax.fori_loop(0, (NCHUNK - 1) // 2, pair, 0)
        wait_scats(0)

    @pl.when(c == 0)
    def _():
        process(y0_ref, z0_ref, src0_ref, dst0_ref)

    @pl.when(c == 1)
    def _():
        process(y1_ref, z1_ref, src1_ref, dst1_ref)

    plsc.subcore_barrier()

    for k in range(NRCH):
        r0 = s * RPT + k * RCH
        pltpu.sync_copy(acc_sh.at[pl.ds(r0, RCH)], ro0)
        pltpu.sync_copy(ro0, acc_out_ref.at[c, pl.ds(r0, RCH)])


_sc_aggregate = pl.kernel(
    _sc_body,
    out_type=jax.ShapeDtypeStruct((2, N_PAD, D), jnp.float32),
    mesh=plsc.VectorSubcoreMesh(core_axis_name="c", subcore_axis_name="s"),
    scratch_types=[
        pltpu.VMEM((CH,), jnp.int32),
        pltpu.VMEM((CH,), jnp.int32),
        pltpu.VMEM((CH,), jnp.int32),
        pltpu.VMEM((CH,), jnp.int32),
        pltpu.VMEM((CH, D), jnp.float32),
        pltpu.VMEM((CH, D), jnp.float32),
        pltpu.VMEM((CH, D), jnp.float32),
        pltpu.VMEM((CH, D), jnp.float32),
        pltpu.VMEM_SHARED((N_PAD, D), jnp.float32),
        pltpu.SemaphoreType.DMA,
        pltpu.SemaphoreType.DMA,
        pltpu.SemaphoreType.DMA,
        pltpu.SemaphoreType.DMA,
        pltpu.SemaphoreType.DMA,
        pltpu.SemaphoreType.DMA,
        pltpu.SemaphoreType.DMA,
        pltpu.SemaphoreType.DMA,
        pltpu.SemaphoreType.DMA,
        pltpu.SemaphoreType.DMA,
        pltpu.SemaphoreType.DMA,
        pltpu.SemaphoreType.DMA,
    ],
)


YBLK = 1000


def _tc_y_body(ns_ref, w0a_ref, w1a_ref, y0_ref, y1_ref):
    x = ns_ref[...]
    y0_ref[...] = jnp.dot(x, w0a_ref[...], preferred_element_type=jnp.float32)
    y1_ref[...] = jnp.dot(x, w1a_ref[...], preferred_element_type=jnp.float32)


_tc_y = pl.pallas_call(
    _tc_y_body,
    grid=(N // YBLK,),
    in_specs=[
        pl.BlockSpec((YBLK, D), lambda i: (i, 0)),
        pl.BlockSpec((D, D), lambda i: (0, 0)),
        pl.BlockSpec((D, D), lambda i: (0, 0)),
    ],
    out_specs=[
        pl.BlockSpec((YBLK, D), lambda i: (i, 0)),
        pl.BlockSpec((YBLK, D), lambda i: (i, 0)),
    ],
    out_shape=[
        jax.ShapeDtypeStruct((N, D), jnp.float32),
        jax.ShapeDtypeStruct((N, D), jnp.float32),
    ],
)


ZBLK = 2000


def _tc_z_body(f0_ref, f1_ref, w0b_ref, w1b_ref, z0_ref, z1_ref):
    z0_ref[...] = jnp.dot(f0_ref[...], w0b_ref[...],
                          preferred_element_type=jnp.float32)
    z1_ref[...] = jnp.dot(f1_ref[...], w1b_ref[...],
                          preferred_element_type=jnp.float32)


_tc_z = pl.pallas_call(
    _tc_z_body,
    grid=(E // ZBLK,),
    in_specs=[
        pl.BlockSpec((ZBLK, H), lambda i: (i, 0)),
        pl.BlockSpec((ZBLK, H), lambda i: (i, 0)),
        pl.BlockSpec((H, D), lambda i: (0, 0)),
        pl.BlockSpec((H, D), lambda i: (0, 0)),
    ],
    out_specs=[
        pl.BlockSpec((ZBLK, D), lambda i: (i, 0)),
        pl.BlockSpec((ZBLK, D), lambda i: (i, 0)),
    ],
    out_shape=[
        jax.ShapeDtypeStruct((E, D), jnp.float32),
        jax.ShapeDtypeStruct((E, D), jnp.float32),
    ],
)


BLK = 1000


def _tc_post_body(ns_ref, acc_ref, ws_ref, b_ref, out_ref):
    o = jnp.dot(ns_ref[...], ws_ref[...], preferred_element_type=jnp.float32)
    o += acc_ref[0] + acc_ref[1] + b_ref[...]
    out_ref[...] = jnp.maximum(o, 0.0)


_tc_post = pl.pallas_call(
    _tc_post_body,
    grid=(N // BLK,),
    in_specs=[
        pl.BlockSpec((BLK, D), lambda i: (i, 0)),
        pl.BlockSpec((2, BLK, D), lambda i: (0, i, 0)),
        pl.BlockSpec((D, D), lambda i: (0, 0)),
        pl.BlockSpec((1, D), lambda i: (0, 0)),
    ],
    out_specs=pl.BlockSpec((BLK, D), lambda i: (i, 0)),
    out_shape=jax.ShapeDtypeStruct((N, D), jnp.float32),
)


def kernel(node_states, edge_src_0, edge_dst_0, edge_src_1, edge_dst_1,
           node_to_graph_idx, ref_root_ids, ref_root_graph_idx,
           edge_feat_0, edge_feat_1, W0, W1, W_self, b):
    del node_to_graph_idx, ref_root_ids, ref_root_graph_idx
    y0, y1 = _tc_y(node_states, W0[:D], W1[:D])
    z0, z1 = _tc_z(edge_feat_0, edge_feat_1, W0[D:], W1[D:])
    acc = _sc_aggregate(
        y0, y1, z0, z1,
        edge_src_0.astype(jnp.int32), edge_dst_0.astype(jnp.int32),
        edge_src_1.astype(jnp.int32), edge_dst_1.astype(jnp.int32),
    )
    return _tc_post(node_states, acc, W_self, b.reshape(1, D))

# --- scband reference (transcript-rebuilt; emitter-appended) ---
"""Pipeline reference for scband-abstract-message-passing-layer-32796370272856 (READ-ONLY COPY).

The authoritative reference and input builder live on the scoring server;
editing this copy changes nothing except your own understanding.
"""

import jax, jax.numpy as jnp
import numpy as np

N = 10000
D = 128
H = 16
E = 160000
G = 64

def setup_inputs(seed: int = 0) -> dict:
    key = jax.random.key(seed)
    ks = jax.random.split(key, 14)
    node_states = jax.random.normal(ks[0], (N, D), dtype=jnp.float32)
    edge_src_0 = jax.random.randint(ks[1], (E,), 0, N)
    edge_dst_0 = jax.random.randint(ks[2], (E,), 0, N)
    edge_src_1 = jax.random.randint(ks[3], (E,), 0, N)
    edge_dst_1 = jax.random.randint(ks[4], (E,), 0, N)
    node_to_graph_idx = jnp.sort(jax.random.randint(ks[5], (N,), 0, G))
    ref_root_ids = jax.random.randint(ks[6], (G,), 0, N)
    ref_root_graph_idx = jnp.arange(G)
    edge_feat_0 = jax.random.normal(ks[7], (E, H), dtype=jnp.float32)
    edge_feat_1 = jax.random.normal(ks[8], (E, H), dtype=jnp.float32)
    W0 = jax.random.normal(ks[9], (D + H, D), dtype=jnp.float32) * 0.05
    W1 = jax.random.normal(ks[10], (D + H, D), dtype=jnp.float32) * 0.05
    W_self = jax.random.normal(ks[11], (D, D), dtype=jnp.float32) * 0.05
    b = jnp.zeros((D,), dtype=jnp.float32)
    return {"node_states": node_states, "edge_src_0": edge_src_0, "edge_dst_0": edge_dst_0,
            "edge_src_1": edge_src_1, "edge_dst_1": edge_dst_1,
            "node_to_graph_idx": node_to_graph_idx, "ref_root_ids": ref_root_ids,
            "ref_root_graph_idx": ref_root_graph_idx,
            "edge_feat_0": edge_feat_0, "edge_feat_1": edge_feat_1,
            "W0": W0, "W1": W1, "W_self": W_self, "b": b}

def reference(node_states, edge_src_0, edge_dst_0, edge_src_1, edge_dst_1,
              node_to_graph_idx, ref_root_ids, ref_root_graph_idx,
              edge_feat_0, edge_feat_1, W0, W1, W_self, b):
    num_nodes = node_states.shape[0]
    # self-update
    out = node_states @ W_self + b
    # edge type 0: gather source states, concat edge features, linear, scatter-sum to dst
    src_states_0 = jnp.take(node_states, edge_src_0, axis=0)
    msg_0 = jnp.concatenate([src_states_0, edge_feat_0], axis=1) @ W0
    agg_0 = jax.ops.segment_sum(msg_0.astype(jnp.float32), edge_dst_0, num_segments=num_nodes)
    # edge type 1
    src_states_1 = jnp.take(node_states, edge_src_1, axis=0)
    msg_1 = jnp.concatenate([src_states_1, edge_feat_1], axis=1) @ W1
    agg_1 = jax.ops.segment_sum(msg_1.astype(jnp.float32), edge_dst_1, num_segments=num_nodes)
    out = out + agg_0 + agg_1
    return jax.nn.relu(out)

if __name__ == "__main__":
    import jax
    _d = setup_inputs()
    print(jax.jit(kernel)(*tuple(_d.values())))

</pallas_src>

<mosaic_0001>
#map = affine_map<(d0, d1) -> (0, 0)>
#map1 = affine_map<(d0, d1) -> (0)>
#map2 = affine_map<(d0, d1) -> (0, 0, 0)>
module attributes {stable_mosaic.version = 14 : i64} {
  func.func @_sc_body(%arg0: i32, %arg1: i32, %arg2: memref<10000x128xf32, #tpu.memory_space<hbm>>, %arg3: memref<10000x128xf32, #tpu.memory_space<hbm>>, %arg4: memref<160000x128xf32, #tpu.memory_space<hbm>>, %arg5: memref<160000x128xf32, #tpu.memory_space<hbm>>, %arg6: memref<160000xi32, #tpu.memory_space<hbm>>, %arg7: memref<160000xi32, #tpu.memory_space<hbm>>, %arg8: memref<160000xi32, #tpu.memory_space<hbm>>, %arg9: memref<160000xi32, #tpu.memory_space<hbm>>, %arg10: memref<2x10240x128xf32, #tpu.memory_space<hbm>>, %arg11: memref<80xi32, #tpu.memory_space<vmem>>, %arg12: memref<80xi32, #tpu.memory_space<vmem>>, %arg13: memref<80xi32, #tpu.memory_space<vmem>>, %arg14: memref<80xi32, #tpu.memory_space<vmem>>, %arg15: memref<80x128xf32, #tpu.memory_space<vmem>>, %arg16: memref<80x128xf32, #tpu.memory_space<vmem>>, %arg17: memref<80x128xf32, #tpu.memory_space<vmem>>, %arg18: memref<80x128xf32, #tpu.memory_space<vmem>>, %arg19: memref<10240x128xf32, #tpu.memory_space<vmem_shared>>, %arg20: memref<!tpu.dma_semaphore, #tpu.memory_space<semaphore_mem>>, %arg21: memref<!tpu.dma_semaphore, #tpu.memory_space<semaphore_mem>>, %arg22: memref<!tpu.dma_semaphore, #tpu.memory_space<semaphore_mem>>, %arg23: memref<!tpu.dma_semaphore, #tpu.memory_space<semaphore_mem>>, %arg24: memref<!tpu.dma_semaphore, #tpu.memory_space<semaphore_mem>>, %arg25: memref<!tpu.dma_semaphore, #tpu.memory_space<semaphore_mem>>, %arg26: memref<!tpu.dma_semaphore, #tpu.memory_space<semaphore_mem>>, %arg27: memref<!tpu.dma_semaphore, #tpu.memory_space<semaphore_mem>>, %arg28: memref<!tpu.dma_semaphore, #tpu.memory_space<semaphore_mem>>, %arg29: memref<!tpu.dma_semaphore, #tpu.memory_space<semaphore_mem>>, %arg30: memref<!tpu.dma_semaphore, #tpu.memory_space<semaphore_mem>>, %arg31: memref<!tpu.dma_semaphore, #tpu.memory_space<semaphore_mem>>) attributes {dimension_semantics = [#tpu.dimension_semantics<core_parallel>, #tpu.dimension_semantics<subcore_parallel>], iteration_bounds = array<i64: 2, 16>, scalar_prefetch = 0 : i64, scratch_operands = 21 : i64, tpu.core_type = #tpu.core_type<sc_vector_subcore>, window_params = [{transform_indices = #map}, {transform_indices = #map}, {transform_indices = #map}, {transform_indices = #map}, {transform_indices = #map1}, {transform_indices = #map1}, {transform_indices = #map1}, {transform_indices = #map1}, {transform_indices = #map2}]} {
    %broadcast_in_dim3A = arith.constant 0.000000e+00 : f32
    %broadcast_in_dim3A_0 = vector.broadcast %broadcast_in_dim3A : f32 to vector<16xf32>
    %scan3A = arith.constant 0 : i32
    %scan3A_1 = arith.constant 0 : i32
    %scan3A_2 = arith.constant 80 : i32
    %scan3A_3 = arith.addi %scan3A_1, %scan3A_2 : i32
    %scan3A_4 = arith.constant 1 : i32
    %scan3A_5 = scf.for %scan3A_77 = %scan3A_1 to %scan3A_3 step %scan3A_4 iter_args(%scan3A_78 = %scan3A) -> (i32)  : i32 {
      %swap3A = arith.index_cast %scan3A_77 : i32 to index
      %swap3A_79 = arith.constant 0 : index
      %swap3A_80 = tpu.vector_load %arg15[%swap3A, %swap3A_79] {strides = array<i32>} : memref<80x128xf32, #tpu.memory_space<vmem>>, vector<1x16xf32>,
      %swap3A_81 = vector.shape_cast %swap3A_80 : vector<1x16xf32> to vector<16xf32>
      %swap3A_82 = vector.shape_cast %broadcast_in_dim3A_0 : vector<16xf32> to vector<1x16xf32>
      tpu.vector_store %arg15[%swap3A, %swap3A_79], %swap3A_82 {strides = array<i32>} : memref<80x128xf32, #tpu.memory_space<vmem>>, vector<1x16xf32>,
      %swap3A_83 = arith.index_cast %scan3A_77 : i32 to index
      %swap3A_84 = arith.constant 16 : index
      %swap3A_85 = tpu.vector_load %arg15[%swap3A_83, %swap3A_84] {strides = array<i32>} : memref<80x128xf32, #tpu.memory_space<vmem>>, vector<1x16xf32>,
      %swap3A_86 = vector.shape_cast %swap3A_85 : vector<1x16xf32> to vector<16xf32>
      %swap3A_87 = vector.shape_cast %broadcast_in_dim3A_0 : vector<16xf32> to vector<1x16xf32>
      tpu.vector_store %arg15[%swap3A_83, %swap3A_84], %swap3A_87 {strides = array<i32>} : memref<80x128xf32, #tpu.memory_space<vmem>>, vector<1x16xf32>,
      %swap3A_88 = arith.index_cast %scan3A_77 : i32 to index
      %swap3A_89 = arith.constant 32 : index
      %swap3A_90 = tpu.vector_load %arg15[%swap3A_88, %swap3A_89] {strides = array<i32>} : memref<80x128xf32, #tpu.memory_space<vmem>>, vector<1x16xf32>,
      %swap3A_91 = vector.shape_cast %swap3A_90 : vector<1x16xf32> to vector<16xf32>
      %swap3A_92 = vector.shape_cast %broadcast_in_dim3A_0 : vector<16xf32> to vector<1x16xf32>
      tpu.vector_store %arg15[%swap3A_88, %swap3A_89], %swap3A_92 {strides = array<i32>} : memref<80x128xf32, #tpu.memory_space<vmem>>, vector<1x16xf32>,
      %swap3A_93 = arith.index_cast %scan3A_77 : i32 to index
      %swap3A_94 = arith.constant 48 : index
      %swap3A_95 = tpu.vector_load %arg15[%swap3A_93, %swap3A_94] {strides = array<i32>} : memref<80x128xf32, #tpu.memory_space<vmem>>, vector<1x16xf32>,
      %swap3A_96 = vector.shape_cast %swap3A_95 : vector<1x16xf32> to vector<16xf32>
      %swap3A_97 = vector.shape_cast %broadcast_in_dim3A_0 : vector<16xf32> to vector<1x16xf32>
      tpu.vector_store %arg15[%swap3A_93, %swap3A_94], %swap3A_97 {strides = array<i32>} : memref<80x128xf32, #tpu.memory_space<vmem>>, vector<1x16xf32>,
      %swap3A_98 = arith.index_cast %scan3A_77 : i32 to index
      %swap3A_99 = arith.constant 64 : index
      %swap3A_100 = tpu.vector_load %arg15[%swap3A_98, %swap3A_99] {strides = array<i32>} : memref<80x128xf32, #tpu.memory_space<vmem>>, vector<1x16xf32>,
      %swap3A_101 = vector.shape_cast %swap3A_100 : vector<1x16xf32> to vector<16xf32>
      %swap3A_102 = vector.shape_cast %broadcast_in_dim3A_0 : vector<16xf32> to vector<1x16xf32>
      tpu.vector_store %arg15[%swap3A_98, %swap3A_99], %swap3A_102 {strides = array<i32>} : memref<80x128xf32, #tpu.memory_space<vmem>>, vector<1x16xf32>,
      %swap3A_103 = arith.index_cast %scan3A_77 : i32 to index
      %swap3A_104 = arith.constant 80 : index
      %swap3A_105 = tpu.vector_load %arg15[%swap3A_103, %swap3A_104] {strides = array<i32>} : memref<80x128xf32, #tpu.memory_space<vmem>>, vector<1x16xf32>,
      %swap3A_106 = vector.shape_cast %swap3A_105 : vector<1x16xf32> to vector<16xf32>
      %swap3A_107 = vector.shape_cast %broadcast_in_dim3A_0 : vector<16xf32> to vector<1x16xf32>
      tpu.vector_store %arg15[%swap3A_103, %swap3A_104], %swap3A_107 {strides = array<i32>} : memref<80x128xf32, #tpu.memory_space<vmem>>, vector<1x16xf32>,
      %swap3A_108 = arith.index_cast %scan3A_77 : i32 to index
      %swap3A_109 = arith.constant 96 : index
      %swap3A_110 = tpu.vector_load %arg15[%swap3A_108, %swap3A_109] {strides = array<i32>} : memref<80x128xf32, #tpu.memory_space<vmem>>, vector<1x16xf32>,
      %swap3A_111 = vector.shape_cast %swap3A_110 : vector<1x16xf32> to vector<16xf32>
      %swap3A_112 = vector.shape_cast %broadcast_in_dim3A_0 : vector<16xf32> to vector<1x16xf32>
      tpu.vector_store %arg15[%swap3A_108, %swap3A_109], %swap3A_112 {strides = array<i32>} : memref<80x128xf32, #tpu.memory_space<vmem>>, vector<1x16xf32>,
      %swap3A_113 = arith.index_cast %scan3A_77 : i32 to index
      %swap3A_114 = arith.constant 112 : index
      %swap3A_115 = tpu.vector_load %arg15[%swap3A_113, %swap3A_114] {strides = array<i32>} : memref<80x128xf32, #tpu.memory_space<vmem>>, vector<1x16xf32>,
      %swap3A_116 = vector.shape_cast %swap3A_115 : vector<1x16xf32> to vector<16xf32>
      %swap3A_117 = vector.shape_cast %broadcast_in_dim3A_0 : vector<16xf32> to vector<1x16xf32>
      tpu.vector_store %arg15[%swap3A_113, %swap3A_114], %swap3A_117 {strides = array<i32>} : memref<80x128xf32, #tpu.memory_space<vmem>>, vector<1x16xf32>,
      %scan3A_118 = arith.constant 0 : i32
      scf.yield %scan3A_118 : i32
    }
    %scan3A_6 = arith.constant 80 : i32
    %mul3A = arith.constant 640 : i32
    %mul3A_7 = arith.muli %arg1, %mul3A : i32
    %add3A = arith.constant 0 : i32
    %add3A_8 = arith.addi %mul3A_7, %add3A : i32
    "tpu.region"() ({
      %run_scoped3A = tpu.sem_alloc : memref<!tpu.dma_semaphore, #tpu.memory_space<semaphore_mem>>
      %dma_start3A = arith.constant 0 : i32
      %dma_start3A_77 = tpu.memref_slice %arg19[%add3A_8, %dma_start3A] : memref<10240x128xf32, #tpu.memory_space<vmem_shared>> -> memref<80x128xf32, #tpu.memory_space<vmem_shared>>
      %dma_start3A_78 = arith.constant 0 : i32
      %dma_start3A_79 = tpu.memref_slice %arg19[%add3A_8, %dma_start3A_78] : memref<10240x128xf32, #tpu.memory_space<vmem_shared>> -> memref<80x128xf32, #tpu.memory_space<vmem_shared>>
      tpu.enqueue_dma source(%arg15 : memref<80x128xf32, #tpu.memory_space<vmem>>) target(%dma_start3A_79 : memref<80x128xf32, #tpu.memory_space<vmem_shared>>) target_semaphore(%run_scoped3A : memref<!tpu.dma_semaphore, #tpu.memory_space<semaphore_mem>>)
      %dma_wait3A = arith.constant 0 : i32
      %dma_wait3A_80 = tpu.memref_slice %arg19[%add3A_8, %dma_wait3A] : memref<10240x128xf32, #tpu.memory_space<vmem_shared>> -> memref<80x128xf32, #tpu.memory_space<vmem_shared>>
      %dma_wait3A_81 = arith.constant 0 : i32
      %dma_wait3A_82 = tpu.memref_slice %arg19[%add3A_8, %dma_wait3A_81] : memref<10240x128xf32, #tpu.memory_space<vmem_shared>> -> memref<80x128xf32, #tpu.memory_space<vmem_shared>>
      tpu.wait_dma2 semaphore(%run_scoped3A : memref<!tpu.dma_semaphore, #tpu.memory_space<semaphore_mem>>) src(%arg15 : memref<80x128xf32, #tpu.memory_space<vmem>>) dst(%dma_wait3A_82 : memref<80x128xf32, #tpu.memory_space<vmem_shared>>)
      tpu.yield
    }) : () -> ()
    %mul3A_9 = arith.constant 640 : i32
    %mul3A_10 = arith.muli %arg1, %mul3A_9 : i32
    %add3A_11 = arith.constant 80 : i32
    %add3A_12 = arith.addi %mul3A_10, %add3A_11 : i32
    "tpu.region"() ({
      %run_scoped3A = tpu.sem_alloc : memref<!tpu.dma_semaphore, #tpu.memory_space<semaphore_mem>>
      %dma_start3A = arith.constant 0 : i32
      %dma_start3A_77 = tpu.memref_slice %arg19[%add3A_12, %dma_start3A] : memref<10240x128xf32, #tpu.memory_space<vmem_shared>> -> memref<80x128xf32, #tpu.memory_space<vmem_shared>>
      %dma_start3A_78 = arith.constant 0 : i32
      %dma_start3A_79 = tpu.memref_slice %arg19[%add3A_12, %dma_start3A_78] : memref<10240x128xf32, #tpu.memory_space<vmem_shared>> -> memref<80x128xf32, #tpu.memory_space<vmem_shared>>
      tpu.enqueue_dma source(%arg15 : memref<80x128xf32, #tpu.memory_space<vmem>>) target(%dma_start3A_79 : memref<80x128xf32, #tpu.memory_space<vmem_shared>>) target_semaphore(%run_scoped3A : memref<!tpu.dma_semaphore, #tpu.memory_space<semaphore_mem>>)
      %dma_wait3A = arith.constant 0 : i32
      %dma_wait3A_80 = tpu.memref_slice %arg19[%add3A_12, %dma_wait3A] : memref<10240x128xf32, #tpu.memory_space<vmem_shared>> -> memref<80x128xf32, #tpu.memory_space<vmem_shared>>
      %dma_wait3A_81 = arith.constant 0 : i32
      %dma_wait3A_82 = tpu.memref_slice %arg19[%add3A_12, %dma_wait3A_81] : memref<10240x128xf32, #tpu.memory_space<vmem_shared>> -> memref<80x128xf32, #tpu.memory_space<vmem_shared>>
      tpu.wait_dma2 semaphore(%run_scoped3A : memref<!tpu.dma_semaphore, #tpu.memory_space<semaphore_mem>>) src(%arg15 : memref<80x128xf32, #tpu.memory_space<vmem>>) dst(%dma_wait3A_82 : memref<80x128xf32, #tpu.memory_space<vmem_shared>>)
      tpu.yield
    }) : () -> ()
    %mul3A_13 = arith.constant 640 : i32
    %mul3A_14 = arith.muli %arg1, %mul3A_13 : i32
    %add3A_15 = arith.constant 160 : i32
    %add3A_16 = arith.addi %mul3A_14, %add3A_15 : i32
    "tpu.region"() ({
      %run_scoped3A = tpu.sem_alloc : memref<!tpu.dma_semaphore, #tpu.memory_space<semaphore_mem>>
      %dma_start3A = arith.constant 0 : i32
      %dma_start3A_77 = tpu.memref_slice %arg19[%add3A_16, %dma_start3A] : memref<10240x128xf32, #tpu.memory_space<vmem_shared>> -> memref<80x128xf32, #tpu.memory_space<vmem_shared>>
      %dma_start3A_78 = arith.constant 0 : i32
      %dma_start3A_79 = tpu.memref_slice %arg19[%add3A_16, %dma_start3A_78] : memref<10240x128xf32, #tpu.memory_space<vmem_shared>> -> memref<80x128xf32, #tpu.memory_space<vmem_shared>>
      tpu.enqueue_dma source(%arg15 : memref<80x128xf32, #tpu.memory_space<vmem>>) target(%dma_start3A_79 : memref<80x128xf32, #tpu.memory_space<vmem_shared>>) target_semaphore(%run_scoped3A : memref<!tpu.dma_semaphore, #tpu.memory_space<semaphore_mem>>)
      %dma_wait3A = arith.constant 0 : i32
      %dma_wait3A_80 = tpu.memref_slice %arg19[%add3A_16, %dma_wait3A] : memref<10240x128xf32, #tpu.memory_space<vmem_shared>> -> memref<80x128xf32, #tpu.memory_space<vmem_shared>>
      %dma_wait3A_81 = arith.constant 0 : i32
      %dma_wait3A_82 = tpu.memref_slice %arg19[%add3A_16, %dma_wait3A_81] : memref<10240x128xf32, #tpu.memory_space<vmem_shared>> -> memref<80x128xf32, #tpu.memory_space<vmem_shared>>
      tpu.wait_dma2 semaphore(%run_scoped3A : memref<!tpu.dma_semaphore, #tpu.memory_space<semaphore_mem>>) src(%arg15 : memref<80x128xf32, #tpu.memory_space<vmem>>) dst(%dma_wait3A_82 : memref<80x128xf32, #tpu.memory_space<vmem_shared>>)
      tpu.yield
    }) : () -> ()
    %mul3A_17 = arith.constant 640 : i32
    %mul3A_18 = arith.muli %arg1, %mul3A_17 : i32
    %add3A_19 = arith.constant 240 : i32
    %add3A_20 = arith.addi %mul3A_18, %add3A_19 : i32
    "tpu.region"() ({
      %run_scoped3A = tpu.sem_alloc : memref<!tpu.dma_semaphore, #tpu.memory_space<semaphore_mem>>
      %dma_start3A = arith.constant 0 : i32
      %dma_start3A_77 = tpu.memref_slice %arg19[%add3A_20, %dma_start3A] : memref<10240x128xf32, #tpu.memory_space<vmem_shared>> -> memref<80x128xf32, #tpu.memory_space<vmem_shared>>
      %dma_start3A_78 = arith.constant 0 : i32
      %dma_start3A_79 = tpu.memref_slice %arg19[%add3A_20, %dma_start3A_78] : memref<10240x128xf32, #tpu.memory_space<vmem_shared>> -> memref<80x128xf32, #tpu.memory_space<vmem_shared>>
      tpu.enqueue_dma source(%arg15 : memref<80x128xf32, #tpu.memory_space<vmem>>) target(%dma_start3A_79 : memref<80x128xf32, #tpu.memory_space<vmem_shared>>) target_semaphore(%run_scoped3A : memref<!tpu.dma_semaphore, #tpu.memory_space<semaphore_mem>>)
      %dma_wait3A = arith.constant 0 : i32
      %dma_wait3A_80 = tpu.memref_slice %arg19[%add3A_20, %dma_wait3A] : memref<10240x128xf32, #tpu.memory_space<vmem_shared>> -> memref<80x128xf32, #tpu.memory_space<vmem_shared>>
      %dma_wait3A_81 = arith.constant 0 : i32
      %dma_wait3A_82 = tpu.memref_slice %arg19[%add3A_20, %dma_wait3A_81] : memref<10240x128xf32, #tpu.memory_space<vmem_shared>> -> memref<80x128xf32, #tpu.memory_space<vmem_shared>>
      tpu.wait_dma2 semaphore(%run_scoped3A : memref<!tpu.dma_semaphore, #tpu.memory_space<semaphore_mem>>) src(%arg15 : memref<80x128xf32, #tpu.memory_space<vmem>>) dst(%dma_wait3A_82 : memref<80x128xf32, #tpu.memory_space<vmem_shared>>)
      tpu.yield
    }) : () -> ()
    %mul3A_21 = arith.constant 640 : i32
    %mul3A_22 = arith.muli %arg1, %mul3A_21 : i32
    %add3A_23 = arith.constant 320 : i32
    %add3A_24 = arith.addi %mul3A_22, %add3A_23 : i32
    "tpu.region"() ({
      %run_scoped3A = tpu.sem_alloc : memref<!tpu.dma_semaphore, #tpu.memory_space<semaphore_mem>>
      %dma_start3A = arith.constant 0 : i32
      %dma_start3A_77 = tpu.memref_slice %arg19[%add3A_24, %dma_start3A] : memref<10240x128xf32, #tpu.memory_space<vmem_shared>> -> memref<80x128xf32, #tpu.memory_space<vmem_shared>>
      %dma_start3A_78 = arith.constant 0 : i32
      %dma_start3A_79 = tpu.memref_slice %arg19[%add3A_24, %dma_start3A_78] : memref<10240x128xf32, #tpu.memory_space<vmem_shared>> -> memref<80x128xf32, #tpu.memory_space<vmem_shared>>
      tpu.enqueue_dma source(%arg15 : memref<80x128xf32, #tpu.memory_space<vmem>>) target(%dma_start3A_79 : memref<80x128xf32, #tpu.memory_space<vmem_shared>>) target_semaphore(%run_scoped3A : memref<!tpu.dma_semaphore, #tpu.memory_space<semaphore_mem>>)
      %dma_wait3A = arith.constant 0 : i32
      %dma_wait3A_80 = tpu.memref_slice %arg19[%add3A_24, %dma_wait3A] : memref<10240x128xf32, #tpu.memory_space<vmem_shared>> -> memref<80x128xf32, #tpu.memory_space<vmem_shared>>
      %dma_wait3A_81 = arith.constant 0 : i32
      %dma_wait3A_82 = tpu.memref_slice %arg19[%add3A_24, %dma_wait3A_81] : memref<10240x128xf32, #tpu.memory_space<vmem_shared>> -> memref<80x128xf32, #tpu.memory_space<vmem_shared>>
      tpu.wait_dma2 semaphore(%run_scoped3A : memref<!tpu.dma_semaphore, #tpu.memory_space<semaphore_mem>>) src(%arg15 : memref<80x128xf32, #tpu.memory_space<vmem>>) dst(%dma_wait3A_82 : memref<80x128xf32, #tpu.memory_space<vmem_shared>>)
      tpu.yield
    }) : () -> ()
    %mul3A_25 = arith.constant 640 : i32
    %mul3A_26 = arith.muli %arg1, %mul3A_25 : i32
    %add3A_27 = arith.constant 400 : i32
    %add3A_28 = arith.addi %mul3A_26, %add3A_27 : i32
    "tpu.region"() ({
      %run_scoped3A = tpu.sem_alloc : memref<!tpu.dma_semaphore, #tpu.memory_space<semaphore_mem>>
      %dma_start3A = arith.constant 0 : i32
      %dma_start3A_77 = tpu.memref_slice %arg19[%add3A_28, %dma_start3A] : memref<10240x128xf32, #tpu.memory_space<vmem_shared>> -> memref<80x128xf32, #tpu.memory_space<vmem_shared>>
      %dma_start3A_78 = arith.constant 0 : i32
      %dma_start3A_79 = tpu.memref_slice %arg19[%add3A_28, %dma_start3A_78] : memref<10240x128xf32, #tpu.memory_space<vmem_shared>> -> memref<80x128xf32, #tpu.memory_space<vmem_shared>>
      tpu.enqueue_dma source(%arg15 : memref<80x128xf32, #tpu.memory_space<vmem>>) target(%dma_start3A_79 : memref<80x128xf32, #tpu.memory_space<vmem_shared>>) target_semaphore(%run_scoped3A : memref<!tpu.dma_semaphore, #tpu.memory_space<semaphore_mem>>)
      %dma_wait3A = arith.constant 0 : i32
      %dma_wait3A_80 = tpu.memref_slice %arg19[%add3A_28, %dma_wait3A] : memref<10240x128xf32, #tpu.memory_space<vmem_shared>> -> memref<80x128xf32, #tpu.memory_space<vmem_shared>>
      %dma_wait3A_81 = arith.constant 0 : i32
      %dma_wait3A_82 = tpu.memref_slice %arg19[%add3A_28, %dma_wait3A_81] : memref<10240x128xf32, #tpu.memory_space<vmem_shared>> -> memref<80x128xf32, #tpu.memory_space<vmem_shared>>
      tpu.wait_dma2 semaphore(%run_scoped3A : memref<!tpu.dma_semaphore, #tpu.memory_space<semaphore_mem>>) src(%arg15 : memref<80x128xf32, #tpu.memory_space<vmem>>) dst(%dma_wait3A_82 : memref<80x128xf32, #tpu.memory_space<vmem_shared>>)
      tpu.yield
    }) : () -> ()
    %mul3A_29 = arith.constant 640 : i32
    %mul3A_30 = arith.muli %arg1, %mul3A_29 : i32
    %add3A_31 = arith.constant 480 : i32
    %add3A_32 = arith.addi %mul3A_30, %add3A_31 : i32
    "tpu.region"() ({
      %run_scoped3A = tpu.sem_alloc : memref<!tpu.dma_semaphore, #tpu.memory_space<semaphore_mem>>
      %dma_start3A = arith.constant 0 : i32
      %dma_start3A_77 = tpu.memref_slice %arg19[%add3A_32, %dma_start3A] : memref<10240x128xf32, #tpu.memory_space<vmem_shared>> -> memref<80x128xf32, #tpu.memory_space<vmem_shared>>
      %dma_start3A_78 = arith.constant 0 : i32
      %dma_start3A_79 = tpu.memref_slice %arg19[%add3A_32, %dma_start3A_78] : memref<10240x128xf32, #tpu.memory_space<vmem_shared>> -> memref<80x128xf32, #tpu.memory_space<vmem_shared>>
      tpu.enqueue_dma source(%arg15 : memref<80x128xf32, #tpu.memory_space<vmem>>) target(%dma_start3A_79 : memref<80x128xf32, #tpu.memory_space<vmem_shared>>) target_semaphore(%run_scoped3A : memref<!tpu.dma_semaphore, #tpu.memory_space<semaphore_mem>>)
      %dma_wait3A = arith.constant 0 : i32
      %dma_wait3A_80 = tpu.memref_slice %arg19[%add3A_32, %dma_wait3A] : memref<10240x128xf32, #tpu.memory_space<vmem_shared>> -> memref<80x128xf32, #tpu.memory_space<vmem_shared>>
      %dma_wait3A_81 = arith.constant 0 : i32
      %dma_wait3A_82 = tpu.memref_slice %arg19[%add3A_32, %dma_wait3A_81] : memref<10240x128xf32, #tpu.memory_space<vmem_shared>> -> memref<80x128xf32, #tpu.memory_space<vmem_shared>>
      tpu.wait_dma2 semaphore(%run_scoped3A : memref<!tpu.dma_semaphore, #tpu.memory_space<semaphore_mem>>) src(%arg15 : memref<80x128xf32, #tpu.memory_space<vmem>>) dst(%dma_wait3A_82 : memref<80x128xf32, #tpu.memory_space<vmem_shared>>)
      tpu.yield
    }) : () -> ()
    %mul3A_33 = arith.constant 640 : i32
    %mul3A_34 = arith.muli %arg1, %mul3A_33 : i32
    %add3A_35 = arith.constant 560 : i32
    %add3A_36 = arith.addi %mul3A_34, %add3A_35 : i32
    "tpu.region"() ({
      %run_scoped3A = tpu.sem_alloc : memref<!tpu.dma_semaphore, #tpu.memory_space<semaphore_mem>>
      %dma_start3A = arith.constant 0 : i32
      %dma_start3A_77 = tpu.memref_slice %arg19[%add3A_36, %dma_start3A] : memref<10240x128xf32, #tpu.memory_space<vmem_shared>> -> memref<80x128xf32, #tpu.memory_space<vmem_shared>>
      %dma_start3A_78 = arith.constant 0 : i32
      %dma_start3A_79 = tpu.memref_slice %arg19[%add3A_36, %dma_start3A_78] : memref<10240x128xf32, #tpu.memory_space<vmem_shared>> -> memref<80x128xf32, #tpu.memory_space<vmem_shared>>
      tpu.enqueue_dma source(%arg15 : memref<80x128xf32, #tpu.memory_space<vmem>>) target(%dma_start3A_79 : memref<80x128xf32, #tpu.memory_space<vmem_shared>>) target_semaphore(%run_scoped3A : memref<!tpu.dma_semaphore, #tpu.memory_space<semaphore_mem>>)
      %dma_wait3A = arith.constant 0 : i32
      %dma_wait3A_80 = tpu.memref_slice %arg19[%add3A_36, %dma_wait3A] : memref<10240x128xf32, #tpu.memory_space<vmem_shared>> -> memref<80x128xf32, #tpu.memory_space<vmem_shared>>
      %dma_wait3A_81 = arith.constant 0 : i32
      %dma_wait3A_82 = tpu.memref_slice %arg19[%add3A_36, %dma_wait3A_81] : memref<10240x128xf32, #tpu.memory_space<vmem_shared>> -> memref<80x128xf32, #tpu.memory_space<vmem_shared>>
      tpu.wait_dma2 semaphore(%run_scoped3A : memref<!tpu.dma_semaphore, #tpu.memory_space<semaphore_mem>>) src(%arg15 : memref<80x128xf32, #tpu.memory_space<vmem>>) dst(%dma_wait3A_82 : memref<80x128xf32, #tpu.memory_space<vmem_shared>>)
      tpu.yield
    }) : () -> ()
    %barrier3A = arith.constant 0 : index
    tpu.barrier barrier_id(%barrier3A)
    %eq3A = arith.constant 0 : i32
    %eq3A_37 = arith.cmpi eq, %arg0, %eq3A : i32
    %convert_element_type3A = arith.extui %eq3A_37 : i1 to i32
    %cond3A = arith.constant 0 : i32
    %cond3A_38 = arith.cmpi ne, %convert_element_type3A, %cond3A : i32
    scf.if %cond3A_38 {
      %mul3A_77 = arith.constant 10000 : i32
      %mul3A_78 = arith.muli %arg1, %mul3A_77 : i32
      %add3A_79 = arith.constant 0 : i32
      %add3A_80 = arith.addi %mul3A_78, %add3A_79 : i32
      %dma_start3A = tpu.memref_slice %arg6[%add3A_80] : memref<160000xi32, #tpu.memory_space<hbm>> -> memref<80xi32, #tpu.memory_space<hbm>>
      %dma_start3A_81 = tpu.memref_slice %arg6[%add3A_80] : memref<160000xi32, #tpu.memory_space<hbm>> -> memref<80xi32, #tpu.memory_space<hbm>>
      tpu.enqueue_dma source(%dma_start3A_81 : memref<80xi32, #tpu.memory_space<hbm>>) target(%arg11 : memref<80xi32, #tpu.memory_space<vmem>>) target_semaphore(%arg20 : memref<!tpu.dma_semaphore, #tpu.memory_space<semaphore_mem>>)
      %dma_start3A_82 = tpu.memref_slice %arg7[%add3A_80] : memref<160000xi32, #tpu.memory_space<hbm>> -> memref<80xi32, #tpu.memory_space<hbm>>
      %dma_start3A_83 = tpu.memref_slice %arg7[%add3A_80] : memref<160000xi32, #tpu.memory_space<hbm>> -> memref<80xi32, #tpu.memory_space<hbm>>
      tpu.enqueue_dma source(%dma_start3A_83 : memref<80xi32, #tpu.memory_space<hbm>>) target(%arg13 : memref<80xi32, #tpu.memory_space<vmem>>) target_semaphore(%arg22 : memref<!tpu.dma_semaphore, #tpu.memory_space<semaphore_mem>>)
      %dma_start3A_84 = arith.constant 0 : i32
      %dma_start3A_85 = tpu.memref_slice %arg4[%add3A_80, %dma_start3A_84] : memref<160000x128xf32, #tpu.memory_space<hbm>> -> memref<80x128xf32, #tpu.memory_space<hbm>>
      %dma_start3A_86 = arith.constant 0 : i32
      %dma_start3A_87 = tpu.memref_slice %arg4[%add3A_80, %dma_start3A_86] : memref<160000x128xf32, #tpu.memory_space<hbm>> -> memref<80x128xf32, #tpu.memory_space<hbm>>
      tpu.enqueue_dma source(%dma_start3A_87 : memref<80x128xf32, #tpu.memory_space<hbm>>) target(%arg17 : memref<80x128xf32, #tpu.memory_space<vmem>>) target_semaphore(%arg24 : memref<!tpu.dma_semaphore, #tpu.memory_space<semaphore_mem>>)
      %dma_wait3A = arith.constant 0 : i32
      %dma_wait3A_88 = tpu.memref_slice %arg6[%dma_wait3A] : memref<160000xi32, #tpu.memory_space<hbm>> -> memref<80xi32, #tpu.memory_space<hbm>>
      %dma_wait3A_89 = arith.constant 0 : i32
      %dma_wait3A_90 = tpu.memref_slice %arg6[%dma_wait3A_89] : memref<160000xi32, #tpu.memory_space<hbm>> -> memref<80xi32, #tpu.memory_space<hbm>>
      tpu.wait_dma2 semaphore(%arg20 : memref<!tpu.dma_semaphore, #tpu.memory_space<semaphore_mem>>) src(%dma_wait3A_90 : memref<80xi32, #tpu.memory_space<hbm>>) dst(%arg11 : memref<80xi32, #tpu.memory_space<vmem>>)
      %dma_wait3A_91 = arith.constant 0 : i32
      %dma_wait3A_92 = tpu.memref_slice %arg7[%dma_wait3A_91] : memref<160000xi32, #tpu.memory_space<hbm>> -> memref<80xi32, #tpu.memory_space<hbm>>
      %dma_wait3A_93 = arith.constant 0 : i32
      %dma_wait3A_94 = tpu.memref_slice %arg7[%dma_wait3A_93] : memref<160000xi32, #tpu.memory_space<hbm>> -> memref<80xi32, #tpu.memory_space<hbm>>
      tpu.wait_dma2 semaphore(%arg22 : memref<!tpu.dma_semaphore, #tpu.memory_space<semaphore_mem>>) src(%dma_wait3A_94 : memref<80xi32, #tpu.memory_space<hbm>>) dst(%arg13 : memref<80xi32, #tpu.memory_space<vmem>>)
      %dma_wait3A_95 = arith.constant 0 : i32
      %dma_wait3A_96 = arith.constant 0 : i32
      %dma_wait3A_97 = tpu.memref_slice %arg4[%dma_wait3A_95, %dma_wait3A_96] : memref<160000x128xf32, #tpu.memory_space<hbm>> -> memref<80x128xf32, #tpu.memory_space<hbm>>
      %dma_wait3A_98 = arith.constant 0 : i32
      %dma_wait3A_99 = arith.constant 0 : i32
      %dma_wait3A_100 = tpu.memref_slice %arg4[%dma_wait3A_98, %dma_wait3A_99] : memref<160000x128xf32, #tpu.memory_space<hbm>> -> memref<80x128xf32, #tpu.memory_space<hbm>>
      tpu.wait_dma2 semaphore(%arg24 : memref<!tpu.dma_semaphore, #tpu.memory_space<semaphore_mem>>) src(%dma_wait3A_100 : memref<80x128xf32, #tpu.memory_space<hbm>>) dst(%arg17 : memref<80x128xf32, #tpu.memory_space<vmem>>)
      %dma_start3A_101 = arith.constant 0 : i32
      %dma_start3A_102 = arith.constant 0 : i32
      %dma_start3A_103 = tpu.memref_slice %arg2[%dma_start3A_101, %dma_start3A_102] : memref<10000x128xf32, #tpu.memory_space<hbm>> -> memref<10000x128xf32, #tpu.memory_space<hbm>>
      tpu.enqueue_indirect_dma source(%dma_start3A_103 : memref<10000x128xf32, #tpu.memory_space<hbm>>) target(%arg15 : memref<80x128xf32, #tpu.memory_space<vmem>>) offsets(%arg11 : memref<80xi32, #tpu.memory_space<vmem>>) semaphore(%arg26 : memref<!tpu.dma_semaphore, #tpu.memory_space<semaphore_mem>>)
      %add3A_104 = arith.constant 80 : i32
      %add3A_105 = arith.addi %mul3A_78, %add3A_104 : i32
      %dma_start3A_106 = tpu.memref_slice %arg6[%add3A_105] : memref<160000xi32, #tpu.memory_space<hbm>> -> memref<80xi32, #tpu.memory_space<hbm>>
      %dma_start3A_107 = tpu.memref_slice %arg6[%add3A_105] : memref<160000xi32, #tpu.memory_space<hbm>> -> memref<80xi32, #tpu.memory_space<hbm>>
      tpu.enqueue_dma source(%dma_start3A_107 : memref<80xi32, #tpu.memory_space<hbm>>) target(%arg12 : memref<80xi32, #tpu.memory_space<vmem>>) target_semaphore(%arg21 : memref<!tpu.dma_semaphore, #tpu.memory_space<semaphore_mem>>)
      %dma_start3A_108 = tpu.memref_slice %arg7[%add3A_105] : memref<160000xi32, #tpu.memory_space<hbm>> -> memref<80xi32, #tpu.memory_space<hbm>>
      %dma_start3A_109 = tpu.memref_slice %arg7[%add3A_105] : memref<160000xi32, #tpu.memory_space<hbm>> -> memref<80xi32, #tpu.memory_space<hbm>>
      tpu.enqueue_dma source(%dma_start3A_109 : memref<80xi32, #tpu.memory_space<hbm>>) target(%arg14 : memref<80xi32, #tpu.memory_space<vmem>>) target_semaphore(%arg23 : memref<!tpu.dma_semaphore, #tpu.memory_space<semaphore_mem>>)
      %dma_start3A_110 = arith.constant 0 : i32
      %dma_start3A_111 = tpu.memref_slice %arg4[%add3A_105, %dma_start3A_110] : memref<160000x128xf32, #tpu.memory_space<hbm>> -> memref<80x128xf32, #tpu.memory_space<hbm>>
      %dma_start3A_112 = arith.constant 0 : i32
      %dma_start3A_113 = tpu.memref_slice %arg4[%add3A_105, %dma_start3A_112] : memref<160000x128xf32, #tpu.memory_space<hbm>> -> memref<80x128xf32, #tpu.memory_space<hbm>>
      tpu.enqueue_dma source(%dma_start3A_113 : memref<80x128xf32, #tpu.memory_space<hbm>>) target(%arg18 : memref<80x128xf32, #tpu.memory_space<vmem>>) target_semaphore(%arg25 : memref<!tpu.dma_semaphore, #tpu.memory_space<semaphore_mem>>)
      %dma_wait3A_114 = arith.constant 0 : i32
      %dma_wait3A_115 = arith.constant 0 : i32
      %dma_wait3A_116 = tpu.memref_slice %arg2[%dma_wait3A_114, %dma_wait3A_115] : memref<10000x128xf32, #tpu.memory_space<hbm>> -> memref<10000x128xf32, #tpu.memory_space<hbm>>
      tpu.wait_indirect_dma semaphore(%arg26 : memref<!tpu.dma_semaphore, #tpu.memory_space<semaphore_mem>>) src(%dma_wait3A_116 : memref<10000x128xf32, #tpu.memory_space<hbm>>) dst(%arg15 : memref<80x128xf32, #tpu.memory_space<vmem>>)
      %dma_start3A_117 = arith.constant 0 : i32
      %dma_start3A_118 = arith.constant 0 : i32
      %dma_start3A_119 = tpu.memref_slice %arg19[%dma_start3A_117, %dma_start3A_118] : memref<10240x128xf32, #tpu.memory_space<vmem_shared>> -> memref<10240x128xf32, #tpu.memory_space<vmem_shared>>
      tpu.enqueue_indirect_dma source(%arg15 : memref<80x128xf32, #tpu.memory_space<vmem>>) target(%dma_start3A_119 : memref<10240x128xf32, #tpu.memory_space<vmem_shared>>) offsets(%arg13 : memref<80xi32, #tpu.memory_space<vmem>>) semaphore(%arg28 : memref<!tpu.dma_semaphore, #tpu.memory_space<semaphore_mem>>) {add = true}
      %dma_start3A_120 = arith.constant 0 : i32
      %dma_start3A_121 = arith.constant 0 : i32
      %dma_start3A_122 = tpu.memref_slice %arg19[%dma_start3A_120, %dma_start3A_121] : memref<10240x128xf32, #tpu.memory_space<vmem_shared>> -> memref<10240x128xf32, #tpu.memory_space<vmem_shared>>
      tpu.enqueue_indirect_dma source(%arg17 : memref<80x128xf32, #tpu.memory_space<vmem>>) target(%dma_start3A_122 : memref<10240x128xf32, #tpu.memory_space<vmem_shared>>) offsets(%arg13 : memref<80xi32, #tpu.memory_space<vmem>>) semaphore(%arg30 : memref<!tpu.dma_semaphore, #tpu.memory_space<semaphore_mem>>) {add = true}
      %scan3A_123 = arith.constant 0 : i32
      %scan3A_124 = arith.constant 0 : i32
      %scan3A_125 = arith.constant 62 : i32
      %scan3A_126 = arith.addi %scan3A_124, %scan3A_125 : i32
      %scan3A_127 = arith.constant 1 : i32
      %scan3A_128 = scf.for %scan3A_142 = %scan3A_124 to %scan3A_126 step %scan3A_127 iter_args(%scan3A_143 = %scan3A_123) -> (i32)  : i32 {
        %mul3A_144 = arith.constant 2 : i32
        %mul3A_145 = arith.muli %mul3A_144, %scan3A_142 : i32
        %add3A_146 = arith.constant 1 : i32
        %add3A_147 = arith.addi %mul3A_145, %add3A_146 : i32
        %dma_wait3A_148 = arith.constant 0 : i32
        %dma_wait3A_149 = tpu.memref_slice %arg6[%dma_wait3A_148] : memref<160000xi32, #tpu.memory_space<hbm>> -> memref<80xi32, #tpu.memory_space<hbm>>
        %dma_wait3A_150 = arith.constant 0 : i32
        %dma_wait3A_151 = tpu.memref_slice %arg6[%dma_wait3A_150] : memref<160000xi32, #tpu.memory_space<hbm>> -> memref<80xi32, #tpu.memory_space<hbm>>
        tpu.wait_dma2 semaphore(%arg21 : memref<!tpu.dma_semaphore, #tpu.memory_space<semaphore_mem>>) src(%dma_wait3A_151 : memref<80xi32, #tpu.memory_space<hbm>>) dst(%arg12 : memref<80xi32, #tpu.memory_space<vmem>>)
        %dma_wait3A_152 = arith.constant 0 : i32
        %dma_wait3A_153 = tpu.memref_slice %arg7[%dma_wait3A_152] : memref<160000xi32, #tpu.memory_space<hbm>> -> memref<80xi32, #tpu.memory_space<hbm>>
        %dma_wait3A_154 = arith.constant 0 : i32
        %dma_wait3A_155 = tpu.memref_slice %arg7[%dma_wait3A_154] : memref<160000xi32, #tpu.memory_space<hbm>> -> memref<80xi32, #tpu.memory_space<hbm>>
        tpu.wait_dma2 semaphore(%arg23 : memref<!tpu.dma_semaphore, #tpu.memory_space<semaphore_mem>>) src(%dma_wait3A_155 : memref<80xi32, #tpu.memory_space<hbm>>) dst(%arg14 : memref<80xi32, #tpu.memory_space<vmem>>)
        %dma_wait3A_156 = arith.constant 0 : i32
        %dma_wait3A_157 = arith.constant 0 : i32
        %dma_wait3A_158 = tpu.memref_slice %arg4[%dma_wait3A_156, %dma_wait3A_157] : memref<160000x128xf32, #tpu.memory_space<hbm>> -> memref<80x128xf32, #tpu.memory_space<hbm>>
        %dma_wait3A_159 = arith.constant 0 : i32
        %dma_wait3A_160 = arith.constant 0 : i32
        %dma_wait3A_161 = tpu.memref_slice %arg4[%dma_wait3A_159, %dma_wait3A_160] : memref<160000x128xf32, #tpu.memory_space<hbm>> -> memref<80x128xf32, #tpu.memory_space<hbm>>
        tpu.wait_dma2 semaphore(%arg25 : memref<!tpu.dma_semaphore, #tpu.memory_space<semaphore_mem>>) src(%dma_wait3A_161 : memref<80x128xf32, #tpu.memory_space<hbm>>) dst(%arg18 : memref<80x128xf32, #tpu.memory_space<vmem>>)
        %dma_start3A_162 = arith.constant 0 : i32
        %dma_start3A_163 = arith.constant 0 : i32
        %dma_start3A_164 = tpu.memref_slice %arg2[%dma_start3A_162, %dma_start3A_163] : memref<10000x128xf32, #tpu.memory_space<hbm>> -> memref<10000x128xf32, #tpu.memory_space<hbm>>
        tpu.enqueue_indirect_dma source(%dma_start3A_164 : memref<10000x128xf32, #tpu.memory_space<hbm>>) target(%arg16 : memref<80x128xf32, #tpu.memory_space<vmem>>) offsets(%arg12 : memref<80xi32, #tpu.memory_space<vmem>>) semaphore(%arg27 : memref<!tpu.dma_semaphore, #tpu.memory_space<semaphore_mem>>)
        %dma_wait3A_165 = arith.constant 0 : i32
        %dma_wait3A_166 = arith.constant 0 : i32
        %dma_wait3A_167 = tpu.memref_slice %arg19[%dma_wait3A_165, %dma_wait3A_166] : memref<10240x128xf32, #tpu.memory_space<vmem_shared>> -> memref<80x128xf32, #tpu.memory_space<vmem_shared>>
        %dma_wait3A_168 = arith.constant 0 : i32
        %dma_wait3A_169 = arith.constant 0 : i32
        %dma_wait3A_170 = tpu.memref_slice %arg19[%dma_wait3A_168, %dma_wait3A_169] : memref<10240x128xf32, #tpu.memory_space<vmem_shared>> -> memref<80x128xf32, #tpu.memory_space<vmem_shared>>
        tpu.wait_dma2 semaphore(%arg28 : memref<!tpu.dma_semaphore, #tpu.memory_space<semaphore_mem>>) src(%arg15 : memref<80x128xf32, #tpu.memory_space<vmem>>) dst(%dma_wait3A_170 : memref<80x128xf32, #tpu.memory_space<vmem_shared>>)
        %dma_wait3A_171 = arith.constant 0 : i32
        %dma_wait3A_172 = arith.constant 0 : i32
        %dma_wait3A_173 = tpu.memref_slice %arg19[%dma_wait3A_171, %dma_wait3A_172] : memref<10240x128xf32, #tpu.memory_space<vmem_shared>> -> memref<80x128xf32, #tpu.memory_space<vmem_shared>>
        %dma_wait3A_174 = arith.constant 0 : i32
        %dma_wait3A_175 = arith.constant 0 : i32
        %dma_wait3A_176 = tpu.memref_slice %arg19[%dma_wait3A_174, %dma_wait3A_175] : memref<10240x128xf32, #tpu.memory_space<vmem_shared>> -> memref<80x128xf32, #tpu.memory_space<vmem_shared>>
        tpu.wait_dma2 semaphore(%arg30 : memref<!tpu.dma_semaphore, #tpu.memory_space<semaphore_mem>>) src(%arg17 : memref<80x128xf32, #tpu.memory_space<vmem>>) dst(%dma_wait3A_176 : memref<80x128xf32, #tpu.memory_space<vmem_shared>>)
        %add3A_177 = arith.constant 1 : i32
        %add3A_178 = arith.addi %add3A_147, %add3A_177 : i32
        %lt3A = arith.constant 125 : i32
        %lt3A_179 = arith.cmpi slt, %add3A_178, %lt3A : i32
        %convert_element_type3A_180 = arith.extui %lt3A_179 : i1 to i32
        %cond3A_181 = arith.constant 0 : i32
        %cond3A_182 = arith.cmpi ne, %convert_element_type3A_180, %cond3A_181 : i32
        scf.if %cond3A_182 {
          %add3A_242 = arith.constant 1 : i32
          %add3A_243 = arith.addi %add3A_147, %add3A_242 : i32
          %mul3A_244 = arith.constant 80 : i32
          %mul3A_245 = arith.muli %add3A_243, %mul3A_244 : i32
          %add3A_246 = arith.addi %mul3A_78, %mul3A_245 : i32
          %dma_start3A_247 = tpu.memref_slice %arg6[%add3A_246] : memref<160000xi32, #tpu.memory_space<hbm>> -> memref<80xi32, #tpu.memory_space<hbm>>
          %dma_start3A_248 = tpu.memref_slice %arg6[%add3A_246] : memref<160000xi32, #tpu.memory_space<hbm>> -> memref<80xi32, #tpu.memory_space<hbm>>
          tpu.enqueue_dma source(%dma_start3A_248 : memref<80xi32, #tpu.memory_space<hbm>>) target(%arg11 : memref<80xi32, #tpu.memory_space<vmem>>) target_semaphore(%arg20 : memref<!tpu.dma_semaphore, #tpu.memory_space<semaphore_mem>>)
          %dma_start3A_249 = tpu.memref_slice %arg7[%add3A_246] : memref<160000xi32, #tpu.memory_space<hbm>> -> memref<80xi32, #tpu.memory_space<hbm>>
          %dma_start3A_250 = tpu.memref_slice %arg7[%add3A_246] : memref<160000xi32, #tpu.memory_space<hbm>> -> memref<80xi32, #tpu.memory_space<hbm>>
          tpu.enqueue_dma source(%dma_start3A_250 : memref<80xi32, #tpu.memory_space<hbm>>) target(%arg13 : memref<80xi32, #tpu.memory_space<vmem>>) target_semaphore(%arg22 : memref<!tpu.dma_semaphore, #tpu.memory_space<semaphore_mem>>)
          %dma_start3A_251 = arith.constant 0 : i32
          %dma_start3A_252 = tpu.memref_slice %arg4[%add3A_246, %dma_start3A_251] : memref<160000x128xf32, #tpu.memory_space<hbm>> -> memref<80x128xf32, #tpu.memory_space<hbm>>
          %dma_start3A_253 = arith.constant 0 : i32
          %dma_start3A_254 = tpu.memref_slice %arg4[%add3A_246, %dma_start3A_253] : memref<160000x128xf32, #tpu.memory_space<hbm>> -> memref<80x128xf32, #tpu.memory_space<hbm>>
          tpu.enqueue_dma source(%dma_start3A_254 : memref<80x128xf32, #tpu.memory_space<hbm>>) target(%arg17 : memref<80x128xf32, #tpu.memory_space<vmem>>) target_semaphore(%arg24 : memref<!tpu.dma_semaphore, #tpu.memory_space<semaphore_mem>>)
        } else {
        }
        %dma_wait3A_183 = arith.constant 0 : i32
        %dma_wait3A_184 = arith.constant 0 : i32
        %dma_wait3A_185 = tpu.memref_slice %arg2[%dma_wait3A_183, %dma_wait3A_184] : memref<10000x128xf32, #tpu.memory_space<hbm>> -> memref<10000x128xf32, #tpu.memory_space<hbm>>
        tpu.wait_indirect_dma semaphore(%arg27 : memref<!tpu.dma_semaphore, #tpu.memory_space<semaphore_mem>>) src(%dma_wait3A_185 : memref<10000x128xf32, #tpu.memory_space<hbm>>) dst(%arg16 : memref<80x128xf32, #tpu.memory_space<vmem>>)
        %dma_start3A_186 = arith.constant 0 : i32
        %dma_start3A_187 = arith.constant 0 : i32
        %dma_start3A_188 = tpu.memref_slice %arg19[%dma_start3A_186, %dma_start3A_187] : memref<10240x128xf32, #tpu.memory_space<vmem_shared>> -> memref<10240x128xf32, #tpu.memory_space<vmem_shared>>
        tpu.enqueue_indirect_dma source(%arg16 : memref<80x128xf32, #tpu.memory_space<vmem>>) target(%dma_start3A_188 : memref<10240x128xf32, #tpu.memory_space<vmem_shared>>) offsets(%arg14 : memref<80xi32, #tpu.memory_space<vmem>>) semaphore(%arg29 : memref<!tpu.dma_semaphore, #tpu.memory_space<semaphore_mem>>) {add = true}
        %dma_start3A_189 = arith.constant 0 : i32
        %dma_start3A_190 = arith.constant 0 : i32
        %dma_start3A_191 = tpu.memref_slice %arg19[%dma_start3A_189, %dma_start3A_190] : memref<10240x128xf32, #tpu.memory_space<vmem_shared>> -> memref<10240x128xf32, #tpu.memory_space<vmem_shared>>
        tpu.enqueue_indirect_dma source(%arg18 : memref<80x128xf32, #tpu.memory_space<vmem>>) target(%dma_start3A_191 : memref<10240x128xf32, #tpu.memory_space<vmem_shared>>) offsets(%arg14 : memref<80xi32, #tpu.memory_space<vmem>>) semaphore(%arg31 : memref<!tpu.dma_semaphore, #tpu.memory_space<semaphore_mem>>) {add = true}
        %mul3A_192 = arith.constant 2 : i32
        %mul3A_193 = arith.muli %mul3A_192, %scan3A_142 : i32
        %add3A_194 = arith.constant 2 : i32
        %add3A_195 = arith.addi %mul3A_193, %add3A_194 : i32
        %dma_wait3A_196 = arith.constant 0 : i32
        %dma_wait3A_197 = tpu.memref_slice %arg6[%dma_wait3A_196] : memref<160000xi32, #tpu.memory_space<hbm>> -> memref<80xi32, #tpu.memory_space<hbm>>
        %dma_wait3A_198 = arith.constant 0 : i32
        %dma_wait3A_199 = tpu.memref_slice %arg6[%dma_wait3A_198] : memref<160000xi32, #tpu.memory_space<hbm>> -> memref<80xi32, #tpu.memory_space<hbm>>
        tpu.wait_dma2 semaphore(%arg20 : memref<!tpu.dma_semaphore, #tpu.memory_space<semaphore_mem>>) src(%dma_wait3A_199 : memref<80xi32, #tpu.memory_space<hbm>>) dst(%arg11 : memref<80xi32, #tpu.memory_space<vmem>>)
        %dma_wait3A_200 = arith.constant 0 : i32
        %dma_wait3A_201 = tpu.memref_slice %arg7[%dma_wait3A_200] : memref<160000xi32, #tpu.memory_space<hbm>> -> memref<80xi32, #tpu.memory_space<hbm>>
        %dma_wait3A_202 = arith.constant 0 : i32
        %dma_wait3A_203 = tpu.memref_slice %arg7[%dma_wait3A_202] : memref<160000xi32, #tpu.memory_space<hbm>> -> memref<80xi32, #tpu.memory_space<hbm>>
        tpu.wait_dma2 semaphore(%arg22 : memref<!tpu.dma_semaphore, #tpu.memory_space<semaphore_mem>>) src(%dma_wait3A_203 : memref<80xi32, #tpu.memory_space<hbm>>) dst(%arg13 : memref<80xi32, #tpu.memory_space<vmem>>)
        %dma_wait3A_204 = arith.constant 0 : i32
        %dma_wait3A_205 = arith.constant 0 : i32
        %dma_wait3A_206 = tpu.memref_slice %arg4[%dma_wait3A_204, %dma_wait3A_205] : memref<160000x128xf32, #tpu.memory_space<hbm>> -> memref<80x128xf32, #tpu.memory_space<hbm>>
        %dma_wait3A_207 = arith.constant 0 : i32
        %dma_wait3A_208 = arith.constant 0 : i32
        %dma_wait3A_209 = tpu.memref_slice %arg4[%dma_wait3A_207, %dma_wait3A_208] : memref<160000x128xf32, #tpu.memory_space<hbm>> -> memref<80x128xf32, #tpu.memory_space<hbm>>
        tpu.wait_dma2 semaphore(%arg24 : memref<!tpu.dma_semaphore, #tpu.memory_space<semaphore_mem>>) src(%dma_wait3A_209 : memref<80x128xf32, #tpu.memory_space<hbm>>) dst(%arg17 : memref<80x128xf32, #tpu.memory_space<vmem>>)
        %dma_start3A_210 = arith.constant 0 : i32
        %dma_start3A_211 = arith.constant 0 : i32
        %dma_start3A_212 = tpu.memref_slice %arg2[%dma_start3A_210, %dma_start3A_211] : memref<10000x128xf32, #tpu.memory_space<hbm>> -> memref<10000x128xf32, #tpu.memory_space<hbm>>
        tpu.enqueue_indirect_dma source(%dma_start3A_212 : memref<10000x128xf32, #tpu.memory_space<hbm>>) target(%arg15 : memref<80x128xf32, #tpu.memory_space<vmem>>) offsets(%arg11 : memref<80xi32, #tpu.memory_space<vmem>>) semaphore(%arg26 : memref<!tpu.dma_semaphore, #tpu.memory_space<semaphore_mem>>)
        %dma_wait3A_213 = arith.constant 0 : i32
        %dma_wait3A_214 = arith.constant 0 : i32
        %dma_wait3A_215 = tpu.memref_slice %arg19[%dma_wait3A_213, %dma_wait3A_214] : memref<10240x128xf32, #tpu.memory_space<vmem_shared>> -> memref<80x128xf32, #tpu.memory_space<vmem_shared>>
        %dma_wait3A_216 = arith.constant 0 : i32
        %dma_wait3A_217 = arith.constant 0 : i32
        %dma_wait3A_218 = tpu.memref_slice %arg19[%dma_wait3A_216, %dma_wait3A_217] : memref<10240x128xf32, #tpu.memory_space<vmem_shared>> -> memref<80x128xf32, #tpu.memory_space<vmem_shared>>
        tpu.wait_dma2 semaphore(%arg29 : memref<!tpu.dma_semaphore, #tpu.memory_space<semaphore_mem>>) src(%arg16 : memref<80x128xf32, #tpu.memory_space<vmem>>) dst(%dma_wait3A_218 : memref<80x128xf32, #tpu.memory_space<vmem_shared>>)
        %dma_wait3A_219 = arith.constant 0 : i32
        %dma_wait3A_220 = arith.constant 0 : i32
        %dma_wait3A_221 = tpu.memref_slice %arg19[%dma_wait3A_219, %dma_wait3A_220] : memref<10240x128xf32, #tpu.memory_space<vmem_shared>> -> memref<80x128xf32, #tpu.memory_space<vmem_shared>>
        %dma_wait3A_222 = arith.constant 0 : i32
        %dma_wait3A_223 = arith.constant 0 : i32
        %dma_wait3A_224 = tpu.memref_slice %arg19[%dma_wait3A_222, %dma_wait3A_223] : memref<10240x128xf32, #tpu.memory_space<vmem_shared>> -> memref<80x128xf32, #tpu.memory_space<vmem_shared>>
        tpu.wait_dma2 semaphore(%arg31 : memref<!tpu.dma_semaphore, #tpu.memory_space<semaphore_mem>>) src(%arg18 : memref<80x128xf32, #tpu.memory_space<vmem>>) dst(%dma_wait3A_224 : memref<80x128xf32, #tpu.memory_space<vmem_shared>>)
        %add3A_225 = arith.constant 1 : i32
        %add3A_226 = arith.addi %add3A_195, %add3A_225 : i32
        %lt3A_227 = arith.constant 125 : i32
        %lt3A_228 = arith.cmpi slt, %add3A_226, %lt3A_227 : i32
        %convert_element_type3A_229 = arith.extui %lt3A_228 : i1 to i32
        %cond3A_230 = arith.constant 0 : i32
        %cond3A_231 = arith.cmpi ne, %convert_element_type3A_229, %cond3A_230 : i32
        scf.if %cond3A_231 {
          %add3A_242 = arith.constant 1 : i32
          %add3A_243 = arith.addi %add3A_195, %add3A_242 : i32
          %mul3A_244 = arith.constant 80 : i32
          %mul3A_245 = arith.muli %add3A_243, %mul3A_244 : i32
          %add3A_246 = arith.addi %mul3A_78, %mul3A_245 : i32
          %dma_start3A_247 = tpu.memref_slice %arg6[%add3A_246] : memref<160000xi32, #tpu.memory_space<hbm>> -> memref<80xi32, #tpu.memory_space<hbm>>
          %dma_start3A_248 = tpu.memref_slice %arg6[%add3A_246] : memref<160000xi32, #tpu.memory_space<hbm>> -> memref<80xi32, #tpu.memory_space<hbm>>
          tpu.enqueue_dma source(%dma_start3A_248 : memref<80xi32, #tpu.memory_space<hbm>>) target(%arg12 : memref<80xi32, #tpu.memory_space<vmem>>) target_semaphore(%arg21 : memref<!tpu.dma_semaphore, #tpu.memory_space<semaphore_mem>>)
          %dma_start3A_249 = tpu.memref_slice %arg7[%add3A_246] : memref<160000xi32, #tpu.memory_space<hbm>> -> memref<80xi32, #tpu.memory_space<hbm>>
          %dma_start3A_250 = tpu.memref_slice %arg7[%add3A_246] : memref<160000xi32, #tpu.memory_space<hbm>> -> memref<80xi32, #tpu.memory_space<hbm>>
          tpu.enqueue_dma source(%dma_start3A_250 : memref<80xi32, #tpu.memory_space<hbm>>) target(%arg14 : memref<80xi32, #tpu.memory_space<vmem>>) target_semaphore(%arg23 : memref<!tpu.dma_semaphore, #tpu.memory_space<semaphore_mem>>)
          %dma_start3A_251 = arith.constant 0 : i32
          %dma_start3A_252 = tpu.memref_slice %arg4[%add3A_246, %dma_start3A_251] : memref<160000x128xf32, #tpu.memory_space<hbm>> -> memref<80x128xf32, #tpu.memory_space<hbm>>
          %dma_start3A_253 = arith.constant 0 : i32
          %dma_start3A_254 = tpu.memref_slice %arg4[%add3A_246, %dma_start3A_253] : memref<160000x128xf32, #tpu.memory_space<hbm>> -> memref<80x128xf32, #tpu.memory_space<hbm>>
          tpu.enqueue_dma source(%dma_start3A_254 : memref<80x128xf32, #tpu.memory_space<hbm>>) target(%arg18 : memref<80x128xf32, #tpu.memory_space<vmem>>) target_semaphore(%arg25 : memref<!tpu.dma_semaphore, #tpu.memory_space<semaphore_mem>>)
        } else {
        }
        %dma_wait3A_232 = arith.constant 0 : i32
        %dma_wait3A_233 = arith.constant 0 : i32
        %dma_wait3A_234 = tpu.memref_slice %arg2[%dma_wait3A_232, %dma_wait3A_233] : memref<10000x128xf32, #tpu.memory_space<hbm>> -> memref<10000x128xf32, #tpu.memory_space<hbm>>
        tpu.wait_indirect_dma semaphore(%arg26 : memref<!tpu.dma_semaphore, #tpu.memory_space<semaphore_mem>>) src(%dma_wait3A_234 : memref<10000x128xf32, #tpu.memory_space<hbm>>) dst(%arg15 : memref<80x128xf32, #tpu.memory_space<vmem>>)
        %dma_start3A_235 = arith.constant 0 : i32
        %dma_start3A_236 = arith.constant 0 : i32
        %dma_start3A_237 = tpu.memref_slice %arg19[%dma_start3A_235, %dma_start3A_236] : memref<10240x128xf32, #tpu.memory_space<vmem_shared>> -> memref<10240x128xf32, #tpu.memory_space<vmem_shared>>
        tpu.enqueue_indirect_dma source(%arg15 : memref<80x128xf32, #tpu.memory_space<vmem>>) target(%dma_start3A_237 : memref<10240x128xf32, #tpu.memory_space<vmem_shared>>) offsets(%arg13 : memref<80xi32, #tpu.memory_space<vmem>>) semaphore(%arg28 : memref<!tpu.dma_semaphore, #tpu.memory_space<semaphore_mem>>) {add = true}
        %dma_start3A_238 = arith.constant 0 : i32
        %dma_start3A_239 = arith.constant 0 : i32
        %dma_start3A_240 = tpu.memref_slice %arg19[%dma_start3A_238, %dma_start3A_239] : memref<10240x128xf32, #tpu.memory_space<vmem_shared>> -> memref<10240x128xf32, #tpu.memory_space<vmem_shared>>
        tpu.enqueue_indirect_dma source(%arg17 : memref<80x128xf32, #tpu.memory_space<vmem>>) target(%dma_start3A_240 : memref<10240x128xf32, #tpu.memory_space<vmem_shared>>) offsets(%arg13 : memref<80xi32, #tpu.memory_space<vmem>>) semaphore(%arg30 : memref<!tpu.dma_semaphore, #tpu.memory_space<semaphore_mem>>) {add = true}
        %scan3A_241 = arith.constant 0 : i32
        scf.yield %scan3A_241 : i32
      }
      %scan3A_129 = arith.constant 62 : i32
      %dma_wait3A_130 = arith.constant 0 : i32
      %dma_wait3A_131 = arith.constant 0 : i32
      %dma_wait3A_132 = tpu.memref_slice %arg19[%dma_wait3A_130, %dma_wait3A_131] : memref<10240x128xf32, #tpu.memory_space<vmem_shared>> -> memref<80x128xf32, #tpu.memory_space<vmem_shared>>
      %dma_wait3A_133 = arith.constant 0 : i32
      %dma_wait3A_134 = arith.constant 0 : i32
      %dma_wait3A_135 = tpu.memref_slice %arg19[%dma_wait3A_133, %dma_wait3A_134] : memref<10240x128xf32, #tpu.memory_space<vmem_shared>> -> memref<80x128xf32, #tpu.memory_space<vmem_shared>>
      tpu.wait_dma2 semaphore(%arg28 : memref<!tpu.dma_semaphore, #tpu.memory_space<semaphore_mem>>) src(%arg15 : memref<80x128xf32, #tpu.memory_space<vmem>>) dst(%dma_wait3A_135 : memref<80x128xf32, #tpu.memory_space<vmem_shared>>)
      %dma_wait3A_136 = arith.constant 0 : i32
      %dma_wait3A_137 = arith.constant 0 : i32
      %dma_wait3A_138 = tpu.memref_slice %arg19[%dma_wait3A_136, %dma_wait3A_137] : memref<10240x128xf32, #tpu.memory_space<vmem_shared>> -> memref<80x128xf32, #tpu.memory_space<vmem_shared>>
      %dma_wait3A_139 = arith.constant 0 : i32
      %dma_wait3A_140 = arith.constant 0 : i32
      %dma_wait3A_141 = tpu.memref_slice %arg19[%dma_wait3A_139, %dma_wait3A_140] : memref<10240x128xf32, #tpu.memory_space<vmem_shared>> -> memref<80x128xf32, #tpu.memory_space<vmem_shared>>
      tpu.wait_dma2 semaphore(%arg30 : memref<!tpu.dma_semaphore, #tpu.memory_space<semaphore_mem>>) src(%arg17 : memref<80x128xf32, #tpu.memory_space<vmem>>) dst(%dma_wait3A_141 : memref<80x128xf32, #tpu.memory_space<vmem_shared>>)
    } else {
    }
    %eq3A_39 = arith.constant 1 : i32
    %eq3A_40 = arith.cmpi eq, %arg0, %eq3A_39 : i32
    %convert_element_type3A_41 = arith.extui %eq3A_40 : i1 to i32
    %cond3A_42 = arith.constant 0 : i32
    %cond3A_43 = arith.cmpi ne, %convert_element_type3A_41, %cond3A_42 : i32
    scf.if %cond3A_43 {
      %mul3A_77 = arith.constant 10000 : i32
      %mul3A_78 = arith.muli %arg1, %mul3A_77 : i32
      %add3A_79 = arith.constant 0 : i32
      %add3A_80 = arith.addi %mul3A_78, %add3A_79 : i32
      %dma_start3A = tpu.memref_slice %arg8[%add3A_80] : memref<160000xi32, #tpu.memory_space<hbm>> -> memref<80xi32, #tpu.memory_space<hbm>>
      %dma_start3A_81 = tpu.memref_slice %arg8[%add3A_80] : memref<160000xi32, #tpu.memory_space<hbm>> -> memref<80xi32, #tpu.memory_space<hbm>>
      tpu.enqueue_dma source(%dma_start3A_81 : memref<80xi32, #tpu.memory_space<hbm>>) target(%arg11 : memref<80xi32, #tpu.memory_space<vmem>>) target_semaphore(%arg20 : memref<!tpu.dma_semaphore, #tpu.memory_space<semaphore_mem>>)
      %dma_start3A_82 = tpu.memref_slice %arg9[%add3A_80] : memref<160000xi32, #tpu.memory_space<hbm>> -> memref<80xi32, #tpu.memory_space<hbm>>
      %dma_start3A_83 = tpu.memref_slice %arg9[%add3A_80] : memref<160000xi32, #tpu.memory_space<hbm>> -> memref<80xi32, #tpu.memory_space<hbm>>
      tpu.enqueue_dma source(%dma_start3A_83 : memref<80xi32, #tpu.memory_space<hbm>>) target(%arg13 : memref<80xi32, #tpu.memory_space<vmem>>) target_semaphore(%arg22 : memref<!tpu.dma_semaphore, #tpu.memory_space<semaphore_mem>>)
      %dma_start3A_84 = arith.constant 0 : i32
      %dma_start3A_85 = tpu.memref_slice %arg5[%add3A_80, %dma_start3A_84] : memref<160000x128xf32, #tpu.memory_space<hbm>> -> memref<80x128xf32, #tpu.memory_space<hbm>>
      %dma_start3A_86 = arith.constant 0 : i32
      %dma_start3A_87 = tpu.memref_slice %arg5[%add3A_80, %dma_start3A_86] : memref<160000x128xf32, #tpu.memory_space<hbm>> -> memref<80x128xf32, #tpu.memory_space<hbm>>
      tpu.enqueue_dma source(%dma_start3A_87 : memref<80x128xf32, #tpu.memory_space<hbm>>) target(%arg17 : memref<80x128xf32, #tpu.memory_space<vmem>>) target_semaphore(%arg24 : memref<!tpu.dma_semaphore, #tpu.memory_space<semaphore_mem>>)
      %dma_wait3A = arith.constant 0 : i32
      %dma_wait3A_88 = tpu.memref_slice %arg8[%dma_wait3A] : memref<160000xi32, #tpu.memory_space<hbm>> -> memref<80xi32, #tpu.memory_space<hbm>>
      %dma_wait3A_89 = arith.constant 0 : i32
      %dma_wait3A_90 = tpu.memref_slice %arg8[%dma_wait3A_89] : memref<160000xi32, #tpu.memory_space<hbm>> -> memref<80xi32, #tpu.memory_space<hbm>>
      tpu.wait_dma2 semaphore(%arg20 : memref<!tpu.dma_semaphore, #tpu.memory_space<semaphore_mem>>) src(%dma_wait3A_90 : memref<80xi32, #tpu.memory_space<hbm>>) dst(%arg11 : memref<80xi32, #tpu.memory_space<vmem>>)
      %dma_wait3A_91 = arith.constant 0 : i32
      %dma_wait3A_92 = tpu.memref_slice %arg9[%dma_wait3A_91] : memref<160000xi32, #tpu.memory_space<hbm>> -> memref<80xi32, #tpu.memory_space<hbm>>
      %dma_wait3A_93 = arith.constant 0 : i32
      %dma_wait3A_94 = tpu.memref_slice %arg9[%dma_wait3A_93] : memref<160000xi32, #tpu.memory_space<hbm>> -> memref<80xi32, #tpu.memory_space<hbm>>
      tpu.wait_dma2 semaphore(%arg22 : memref<!tpu.dma_semaphore, #tpu.memory_space<semaphore_mem>>) src(%dma_wait3A_94 : memref<80xi32, #tpu.memory_space<hbm>>) dst(%arg13 : memref<80xi32, #tpu.memory_space<vmem>>)
      %dma_wait3A_95 = arith.constant 0 : i32
      %dma_wait3A_96 = arith.constant 0 : i32
      %dma_wait3A_97 = tpu.memref_slice %arg5[%dma_wait3A_95, %dma_wait3A_96] : memref<160000x128xf32, #tpu.memory_space<hbm>> -> memref<80x128xf32, #tpu.memory_space<hbm>>
      %dma_wait3A_98 = arith.constant 0 : i32
      %dma_wait3A_99 = arith.constant 0 : i32
      %dma_wait3A_100 = tpu.memref_slice %arg5[%dma_wait3A_98, %dma_wait3A_99] : memref<160000x128xf32, #tpu.memory_space<hbm>> -> memref<80x128xf32, #tpu.memory_space<hbm>>
      tpu.wait_dma2 semaphore(%arg24 : memref<!tpu.dma_semaphore, #tpu.memory_space<semaphore_mem>>) src(%dma_wait3A_100 : memref<80x128xf32, #tpu.memory_space<hbm>>) dst(%arg17 : memref<80x128xf32, #tpu.memory_space<vmem>>)
      %dma_start3A_101 = arith.constant 0 : i32
      %dma_start3A_102 = arith.constant 0 : i32
      %dma_start3A_103 = tpu.memref_slice %arg3[%dma_start3A_101, %dma_start3A_102] : memref<10000x128xf32, #tpu.memory_space<hbm>> -> memref<10000x128xf32, #tpu.memory_space<hbm>>
      tpu.enqueue_indirect_dma source(%dma_start3A_103 : memref<10000x128xf32, #tpu.memory_space<hbm>>) target(%arg15 : memref<80x128xf32, #tpu.memory_space<vmem>>) offsets(%arg11 : memref<80xi32, #tpu.memory_space<vmem>>) semaphore(%arg26 : memref<!tpu.dma_semaphore, #tpu.memory_space<semaphore_mem>>)
      %add3A_104 = arith.constant 80 : i32
      %add3A_105 = arith.addi %mul3A_78, %add3A_104 : i32
      %dma_start3A_106 = tpu.memref_slice %arg8[%add3A_105] : memref<160000xi32, #tpu.memory_space<hbm>> -> memref<80xi32, #tpu.memory_space<hbm>>
      %dma_start3A_107 = tpu.memref_slice %arg8[%add3A_105] : memref<160000xi32, #tpu.memory_space<hbm>> -> memref<80xi32, #tpu.memory_space<hbm>>
      tpu.enqueue_dma source(%dma_start3A_107 : memref<80xi32, #tpu.memory_space<hbm>>) target(%arg12 : memref<80xi32, #tpu.memory_space<vmem>>) target_semaphore(%arg21 : memref<!tpu.dma_semaphore, #tpu.memory_space<semaphore_mem>>)
      %dma_start3A_108 = tpu.memref_slice %arg9[%add3A_105] : memref<160000xi32, #tpu.memory_space<hbm>> -> memref<80xi32, #tpu.memory_space<hbm>>
      %dma_start3A_109 = tpu.memref_slice %arg9[%add3A_105] : memref<160000xi32, #tpu.memory_space<hbm>> -> memref<80xi32, #tpu.memory_space<hbm>>
      tpu.enqueue_dma source(%dma_start3A_109 : memref<80xi32, #tpu.memory_space<hbm>>) target(%arg14 : memref<80xi32, #tpu.memory_space<vmem>>) target_semaphore(%arg23 : memref<!tpu.dma_semaphore, #tpu.memory_space<semaphore_mem>>)
      %dma_start3A_110 = arith.constant 0 : i32
      %dma_start3A_111 = tpu.memref_slice %arg5[%add3A_105, %dma_start3A_110] : memref<160000x128xf32, #tpu.memory_space<hbm>> -> memref<80x128xf32, #tpu.memory_space<hbm>>
      %dma_start3A_112 = arith.constant 0 : i32
      %dma_start3A_113 = tpu.memref_slice %arg5[%add3A_105, %dma_start3A_112] : memref<160000x128xf32, #tpu.memory_space<hbm>> -> memref<80x128xf32, #tpu.memory_space<hbm>>
      tpu.enqueue_dma source(%dma_start3A_113 : memref<80x128xf32, #tpu.memory_space<hbm>>) target(%arg18 : memref<80x128xf32, #tpu.memory_space<vmem>>) target_semaphore(%arg25 : memref<!tpu.dma_semaphore, #tpu.memory_space<semaphore_mem>>)
      %dma_wait3A_114 = arith.constant 0 : i32
      %dma_wait3A_115 = arith.constant 0 : i32
      %dma_wait3A_116 = tpu.memref_slice %arg3[%dma_wait3A_114, %dma_wait3A_115] : memref<10000x128xf32, #tpu.memory_space<hbm>> -> memref<10000x128xf32, #tpu.memory_space<hbm>>
      tpu.wait_indirect_dma semaphore(%arg26 : memref<!tpu.dma_semaphore, #tpu.memory_space<semaphore_mem>>) src(%dma_wait3A_116 : memref<10000x128xf32, #tpu.memory_space<hbm>>) dst(%arg15 : memref<80x128xf32, #tpu.memory_space<vmem>>)
      %dma_start3A_117 = arith.constant 0 : i32
      %dma_start3A_118 = arith.constant 0 : i32
      %dma_start3A_119 = tpu.memref_slice %arg19[%dma_start3A_117, %dma_start3A_118] : memref<10240x128xf32, #tpu.memory_space<vmem_shared>> -> memref<10240x128xf32, #tpu.memory_space<vmem_shared>>
      tpu.enqueue_indirect_dma source(%arg15 : memref<80x128xf32, #tpu.memory_space<vmem>>) target(%dma_start3A_119 : memref<10240x128xf32, #tpu.memory_space<vmem_shared>>) offsets(%arg13 : memref<80xi32, #tpu.memory_space<vmem>>) semaphore(%arg28 : memref<!tpu.dma_semaphore, #tpu.memory_space<semaphore_mem>>) {add = true}
      %dma_start3A_120 = arith.constant 0 : i32
      %dma_start3A_121 = arith.constant 0 : i32
      %dma_start3A_122 = tpu.memref_slice %arg19[%dma_start3A_120, %dma_start3A_121] : memref<10240x128xf32, #tpu.memory_space<vmem_shared>> -> memref<10240x128xf32, #tpu.memory_space<vmem_shared>>
      tpu.enqueue_indirect_dma source(%arg17 : memref<80x128xf32, #tpu.memory_space<vmem>>) target(%dma_start3A_122 : memref<10240x128xf32, #tpu.memory_space<vmem_shared>>) offsets(%arg13 : memref<80xi32, #tpu.memory_space<vmem>>) semaphore(%arg30 : memref<!tpu.dma_semaphore, #tpu.memory_space<semaphore_mem>>) {add = true}
      %scan3A_123 = arith.constant 0 : i32
      %scan3A_124 = arith.constant 0 : i32
      %scan3A_125 = arith.constant 62 : i32
      %scan3A_126 = arith.addi %scan3A_124, %scan3A_125 : i32
      %scan3A_127 = arith.constant 1 : i32
      %scan3A_128 = scf.for %scan3A_142 = %scan3A_124 to %scan3A_126 step %scan3A_127 iter_args(%scan3A_143 = %scan3A_123) -> (i32)  : i32 {
        %mul3A_144 = arith.constant 2 : i32
        %mul3A_145 = arith.muli %mul3A_144, %scan3A_142 : i32
        %add3A_146 = arith.constant 1 : i32
        %add3A_147 = arith.addi %mul3A_145, %add3A_146 : i32
        %dma_wait3A_148 = arith.constant 0 : i32
        %dma_wait3A_149 = tpu.memref_slice %arg8[%dma_wait3A_148] : memref<160000xi32, #tpu.memory_space<hbm>> -> memref<80xi32, #tpu.memory_space<hbm>>
        %dma_wait3A_150 = arith.constant 0 : i32
        %dma_wait3A_151 = tpu.memref_slice %arg8[%dma_wait3A_150] : memref<160000xi32, #tpu.memory_space<hbm>> -> memref<80xi32, #tpu.memory_space<hbm>>
        tpu.wait_dma2 semaphore(%arg21 : memref<!tpu.dma_semaphore, #tpu.memory_space<semaphore_mem>>) src(%dma_wait3A_151 : memref<80xi32, #tpu.memory_space<hbm>>) dst(%arg12 : memref<80xi32, #tpu.memory_space<vmem>>)
        %dma_wait3A_152 = arith.constant 0 : i32
        %dma_wait3A_153 = tpu.memref_slice %arg9[%dma_wait3A_152] : memref<160000xi32, #tpu.memory_space<hbm>> -> memref<80xi32, #tpu.memory_space<hbm>>
        %dma_wait3A_154 = arith.constant 0 : i32
        %dma_wait3A_155 = tpu.memref_slice %arg9[%dma_wait3A_154] : memref<160000xi32, #tpu.memory_space<hbm>> -> memref<80xi32, #tpu.memory_space<hbm>>
        tpu.wait_dma2 semaphore(%arg23 : memref<!tpu.dma_semaphore, #tpu.memory_space<semaphore_mem>>) src(%dma_wait3A_155 : memref<80xi32, #tpu.memory_space<hbm>>) dst(%arg14 : memref<80xi32, #tpu.memory_space<vmem>>)
        %dma_wait3A_156 = arith.constant 0 : i32
        %dma_wait3A_157 = arith.constant 0 : i32
        %dma_wait3A_158 = tpu.memref_slice %arg5[%dma_wait3A_156, %dma_wait3A_157] : memref<160000x128xf32, #tpu.memory_space<hbm>> -> memref<80x128xf32, #tpu.memory_space<hbm>>
        %dma_wait3A_159 = arith.constant 0 : i32
        %dma_wait3A_160 = arith.constant 0 : i32
        %dma_wait3A_161 = tpu.memref_slice %arg5[%dma_wait3A_159, %dma_wait3A_160] : memref<160000x128xf32, #tpu.memory_space<hbm>> -> memref<80x128xf32, #tpu.memory_space<hbm>>
        tpu.wait_dma2 semaphore(%arg25 : memref<!tpu.dma_semaphore, #tpu.memory_space<semaphore_mem>>) src(%dma_wait3A_161 : memref<80x128xf32, #tpu.memory_space<hbm>>) dst(%arg18 : memref<80x128xf32, #tpu.memory_space<vmem>>)
        %dma_start3A_162 = arith.constant 0 : i32
        %dma_start3A_163 = arith.constant 0 : i32
        %dma_start3A_164 = tpu.memref_slice %arg3[%dma_start3A_162, %dma_start3A_163] : memref<10000x128xf32, #tpu.memory_space<hbm>> -> memref<10000x128xf32, #tpu.memory_space<hbm>>
        tpu.enqueue_indirect_dma source(%dma_start3A_164 : memref<10000x128xf32, #tpu.memory_space<hbm>>) target(%arg16 : memref<80x128xf32, #tpu.memory_space<vmem>>) offsets(%arg12 : memref<80xi32, #tpu.memory_space<vmem>>) semaphore(%arg27 : memref<!tpu.dma_semaphore, #tpu.memory_space<semaphore_mem>>)
        %dma_wait3A_165 = arith.constant 0 : i32
        %dma_wait3A_166 = arith.constant 0 : i32
        %dma_wait3A_167 = tpu.memref_slice %arg19[%dma_wait3A_165, %dma_wait3A_166] : memref<10240x128xf32, #tpu.memory_space<vmem_shared>> -> memref<80x128xf32, #tpu.memory_space<vmem_shared>>
        %dma_wait3A_168 = arith.constant 0 : i32
        %dma_wait3A_169 = arith.constant 0 : i32
        %dma_wait3A_170 = tpu.memref_slice %arg19[%dma_wait3A_168, %dma_wait3A_169] : memref<10240x128xf32, #tpu.memory_space<vmem_shared>> -> memref<80x128xf32, #tpu.memory_space<vmem_shared>>
        tpu.wait_dma2 semaphore(%arg28 : memref<!tpu.dma_semaphore, #tpu.memory_space<semaphore_mem>>) src(%arg15 : memref<80x128xf32, #tpu.memory_space<vmem>>) dst(%dma_wait3A_170 : memref<80x128xf32, #tpu.memory_space<vmem_shared>>)
        %dma_wait3A_171 = arith.constant 0 : i32
        %dma_wait3A_172 = arith.constant 0 : i32
        %dma_wait3A_173 = tpu.memref_slice %arg19[%dma_wait3A_171, %dma_wait3A_172] : memref<10240x128xf32, #tpu.memory_space<vmem_shared>> -> memref<80x128xf32, #tpu.memory_space<vmem_shared>>
        %dma_wait3A_174 = arith.constant 0 : i32
        %dma_wait3A_175 = arith.constant 0 : i32
        %dma_wait3A_176 = tpu.memref_slice %arg19[%dma_wait3A_174, %dma_wait3A_175] : memref<10240x128xf32, #tpu.memory_space<vmem_shared>> -> memref<80x128xf32, #tpu.memory_space<vmem_shared>>
        tpu.wait_dma2 semaphore(%arg30 : memref<!tpu.dma_semaphore, #tpu.memory_space<semaphore_mem>>) src(%arg17 : memref<80x128xf32, #tpu.memory_space<vmem>>) dst(%dma_wait3A_176 : memref<80x128xf32, #tpu.memory_space<vmem_shared>>)
        %add3A_177 = arith.constant 1 : i32
        %add3A_178 = arith.addi %add3A_147, %add3A_177 : i32
        %lt3A = arith.constant 125 : i32
        %lt3A_179 = arith.cmpi slt, %add3A_178, %lt3A : i32
        %convert_element_type3A_180 = arith.extui %lt3A_179 : i1 to i32
        %cond3A_181 = arith.constant 0 : i32
        %cond3A_182 = arith.cmpi ne, %convert_element_type3A_180, %cond3A_181 : i32
        scf.if %cond3A_182 {
          %add3A_242 = arith.constant 1 : i32
          %add3A_243 = arith.addi %add3A_147, %add3A_242 : i32
          %mul3A_244 = arith.constant 80 : i32
          %mul3A_245 = arith.muli %add3A_243, %mul3A_244 : i32
          %add3A_246 = arith.addi %mul3A_78, %mul3A_245 : i32
          %dma_start3A_247 = tpu.memref_slice %arg8[%add3A_246] : memref<160000xi32, #tpu.memory_space<hbm>> -> memref<80xi32, #tpu.memory_space<hbm>>
          %dma_start3A_248 = tpu.memref_slice %arg8[%add3A_246] : memref<160000xi32, #tpu.memory_space<hbm>> -> memref<80xi32, #tpu.memory_space<hbm>>
          tpu.enqueue_dma source(%dma_start3A_248 : memref<80xi32, #tpu.memory_space<hbm>>) target(%arg11 : memref<80xi32, #tpu.memory_space<vmem>>) target_semaphore(%arg20 : memref<!tpu.dma_semaphore, #tpu.memory_space<semaphore_mem>>)
          %dma_start3A_249 = tpu.memref_slice %arg9[%add3A_246] : memref<160000xi32, #tpu.memory_space<hbm>> -> memref<80xi32, #tpu.memory_space<hbm>>
          %dma_start3A_250 = tpu.memref_slice %arg9[%add3A_246] : memref<160000xi32, #tpu.memory_space<hbm>> -> memref<80xi32, #tpu.memory_space<hbm>>
          tpu.enqueue_dma source(%dma_start3A_250 : memref<80xi32, #tpu.memory_space<hbm>>) target(%arg13 : memref<80xi32, #tpu.memory_space<vmem>>) target_semaphore(%arg22 : memref<!tpu.dma_semaphore, #tpu.memory_space<semaphore_mem>>)
          %dma_start3A_251 = arith.constant 0 : i32
          %dma_start3A_252 = tpu.memref_slice %arg5[%add3A_246, %dma_start3A_251] : memref<160000x128xf32, #tpu.memory_space<hbm>> -> memref<80x128xf32, #tpu.memory_space<hbm>>
          %dma_start3A_253 = arith.constant 0 : i32
          %dma_start3A_254 = tpu.memref_slice %arg5[%add3A_246, %dma_start3A_253] : memref<160000x128xf32, #tpu.memory_space<hbm>> -> memref<80x128xf32, #tpu.memory_space<hbm>>
          tpu.enqueue_dma source(%dma_start3A_254 : memref<80x128xf32, #tpu.memory_space<hbm>>) target(%arg17 : memref<80x128xf32, #tpu.memory_space<vmem>>) target_semaphore(%arg24 : memref<!tpu.dma_semaphore, #tpu.memory_space<semaphore_mem>>)
        } else {
        }
        %dma_wait3A_183 = arith.constant 0 : i32
        %dma_wait3A_184 = arith.constant 0 : i32
        %dma_wait3A_185 = tpu.memref_slice %arg3[%dma_wait3A_183, %dma_wait3A_184] : memref<10000x128xf32, #tpu.memory_space<hbm>> -> memref<10000x128xf32, #tpu.memory_space<hbm>>
        tpu.wait_indirect_dma semaphore(%arg27 : memref<!tpu.dma_semaphore, #tpu.memory_space<semaphore_mem>>) src(%dma_wait3A_185 : memref<10000x128xf32, #tpu.memory_space<hbm>>) dst(%arg16 : memref<80x128xf32, #tpu.memory_space<vmem>>)
        %dma_start3A_186 = arith.constant 0 : i32
        %dma_start3A_187 = arith.constant 0 : i32
        %dma_start3A_188 = tpu.memref_slice %arg19[%dma_start3A_186, %dma_start3A_187] : memref<10240x128xf32, #tpu.memory_space<vmem_shared>> -> memref<10240x128xf32, #tpu.memory_space<vmem_shared>>
        tpu.enqueue_indirect_dma source(%arg16 : memref<80x128xf32, #tpu.memory_space<vmem>>) target(%dma_start3A_188 : memref<10240x128xf32, #tpu.memory_space<vmem_shared>>) offsets(%arg14 : memref<80xi32, #tpu.memory_space<vmem>>) semaphore(%arg29 : memref<!tpu.dma_semaphore, #tpu.memory_space<semaphore_mem>>) {add = true}
        %dma_start3A_189 = arith.constant 0 : i32
        %dma_start3A_190 = arith.constant 0 : i32
        %dma_start3A_191 = tpu.memref_slice %arg19[%dma_start3A_189, %dma_start3A_190] : memref<10240x128xf32, #tpu.memory_space<vmem_shared>> -> memref<10240x128xf32, #tpu.memory_space<vmem_shared>>
        tpu.enqueue_indirect_dma source(%arg18 : memref<80x128xf32, #tpu.memory_space<vmem>>) target(%dma_start3A_191 : memref<10240x128xf32, #tpu.memory_space<vmem_shared>>) offsets(%arg14 : memref<80xi32, #tpu.memory_space<vmem>>) semaphore(%arg31 : memref<!tpu.dma_semaphore, #tpu.memory_space<semaphore_mem>>) {add = true}
        %mul3A_192 = arith.constant 2 : i32
        %mul3A_193 = arith.muli %mul3A_192, %scan3A_142 : i32
        %add3A_194 = arith.constant 2 : i32
        %add3A_195 = arith.addi %mul3A_193, %add3A_194 : i32
        %dma_wait3A_196 = arith.constant 0 : i32
        %dma_wait3A_197 = tpu.memref_slice %arg8[%dma_wait3A_196] : memref<160000xi32, #tpu.memory_space<hbm>> -> memref<80xi32, #tpu.memory_space<hbm>>
        %dma_wait3A_198 = arith.constant 0 : i32
        %dma_wait3A_199 = tpu.memref_slice %arg8[%dma_wait3A_198] : memref<160000xi32, #tpu.memory_space<hbm>> -> memref<80xi32, #tpu.memory_space<hbm>>
        tpu.wait_dma2 semaphore(%arg20 : memref<!tpu.dma_semaphore, #tpu.memory_space<semaphore_mem>>) src(%dma_wait3A_199 : memref<80xi32, #tpu.memory_space<hbm>>) dst(%arg11 : memref<80xi32, #tpu.memory_space<vmem>>)
        %dma_wait3A_200 = arith.constant 0 : i32
        %dma_wait3A_201 = tpu.memref_slice %arg9[%dma_wait3A_200] : memref<160000xi32, #tpu.memory_space<hbm>> -> memref<80xi32, #tpu.memory_space<hbm>>
        %dma_wait3A_202 = arith.constant 0 : i32
        %dma_wait3A_203 = tpu.memref_slice %arg9[%dma_wait3A_202] : memref<160000xi32, #tpu.memory_space<hbm>> -> memref<80xi32, #tpu.memory_space<hbm>>
        tpu.wait_dma2 semaphore(%arg22 : memref<!tpu.dma_semaphore, #tpu.memory_space<semaphore_mem>>) src(%dma_wait3A_203 : memref<80xi32, #tpu.memory_space<hbm>>) dst(%arg13 : memref<80xi32, #tpu.memory_space<vmem>>)
        %dma_wait3A_204 = arith.constant 0 : i32
        %dma_wait3A_205 = arith.constant 0 : i32
        %dma_wait3A_206 = tpu.memref_slice %arg5[%dma_wait3A_204, %dma_wait3A_205] : memref<160000x128xf32, #tpu.memory_space<hbm>> -> memref<80x128xf32, #tpu.memory_space<hbm>>
        %dma_wait3A_207 = arith.constant 0 : i32
        %dma_wait3A_208 = arith.constant 0 : i32
        %dma_wait3A_209 = tpu.memref_slice %arg5[%dma_wait3A_207, %dma_wait3A_208] : memref<160000x128xf32, #tpu.memory_space<hbm>> -> memref<80x128xf32, #tpu.memory_space<hbm>>
        tpu.wait_dma2 semaphore(%arg24 : memref<!tpu.dma_semaphore, #tpu.memory_space<semaphore_mem>>) src(%dma_wait3A_209 : memref<80x128xf32, #tpu.memory_space<hbm>>) dst(%arg17 : memref<80x128xf32, #tpu.memory_space<vmem>>)
        %dma_start3A_210 = arith.constant 0 : i32
        %dma_start3A_211 = arith.constant 0 : i32
        %dma_start3A_212 = tpu.memref_slice %arg3[%dma_start3A_210, %dma_start3A_211] : memref<10000x128xf32, #tpu.memory_space<hbm>> -> memref<10000x128xf32, #tpu.memory_space<hbm>>
        tpu.enqueue_indirect_dma source(%dma_start3A_212 : memref<10000x128xf32, #tpu.memory_space<hbm>>) target(%arg15 : memref<80x128xf32, #tpu.memory_space<vmem>>) offsets(%arg11 : memref<80xi32, #tpu.memory_space<vmem>>) semaphore(%arg26 : memref<!tpu.dma_semaphore, #tpu.memory_space<semaphore_mem>>)
        %dma_wait3A_213 = arith.constant 0 : i32
        %dma_wait3A_214 = arith.constant 0 : i32
        %dma_wait3A_215 = tpu.memref_slice %arg19[%dma_wait3A_213, %dma_wait3A_214] : memref<10240x128xf32, #tpu.memory_space<vmem_shared>> -> memref<80x128xf32, #tpu.memory_space<vmem_shared>>
        %dma_wait3A_216 = arith.constant 0 : i32
        %dma_wait3A_217 = arith.constant 0 : i32
        %dma_wait3A_218 = tpu.memref_slice %arg19[%dma_wait3A_216, %dma_wait3A_217] : memref<10240x128xf32, #tpu.memory_space<vmem_shared>> -> memref<80x128xf32, #tpu.memory_space<vmem_shared>>
        tpu.wait_dma2 semaphore(%arg29 : memref<!tpu.dma_semaphore, #tpu.memory_space<semaphore_mem>>) src(%arg16 : memref<80x128xf32, #tpu.memory_space<vmem>>) dst(%dma_wait3A_218 : memref<80x128xf32, #tpu.memory_space<vmem_shared>>)
        %dma_wait3A_219 = arith.constant 0 : i32
        %dma_wait3A_220 = arith.constant 0 : i32
        %dma_wait3A_221 = tpu.memref_slice %arg19[%dma_wait3A_219, %dma_wait3A_220] : memref<10240x128xf32, #tpu.memory_space<vmem_shared>> -> memref<80x128xf32, #tpu.memory_space<vmem_shared>>
        %dma_wait3A_222 = arith.constant 0 : i32
        %dma_wait3A_223 = arith.constant 0 : i32
        %dma_wait3A_224 = tpu.memref_slice %arg19[%dma_wait3A_222, %dma_wait3A_223] : memref<10240x128xf32, #tpu.memory_space<vmem_shared>> -> memref<80x128xf32, #tpu.memory_space<vmem_shared>>
        tpu.wait_dma2 semaphore(%arg31 : memref<!tpu.dma_semaphore, #tpu.memory_space<semaphore_mem>>) src(%arg18 : memref<80x128xf32, #tpu.memory_space<vmem>>) dst(%dma_wait3A_224 : memref<80x128xf32, #tpu.memory_space<vmem_shared>>)
        %add3A_225 = arith.constant 1 : i32
        %add3A_226 = arith.addi %add3A_195, %add3A_225 : i32
        %lt3A_227 = arith.constant 125 : i32
        %lt3A_228 = arith.cmpi slt, %add3A_226, %lt3A_227 : i32
        %convert_element_type3A_229 = arith.extui %lt3A_228 : i1 to i32
        %cond3A_230 = arith.constant 0 : i32
        %cond3A_231 = arith.cmpi ne, %convert_element_type3A_229, %cond3A_230 : i32
        scf.if %cond3A_231 {
          %add3A_242 = arith.constant 1 : i32
          %add3A_243 = arith.addi %add3A_195, %add3A_242 : i32
          %mul3A_244 = arith.constant 80 : i32
          %mul3A_245 = arith.muli %add3A_243, %mul3A_244 : i32
          %add3A_246 = arith.addi %mul3A_78, %mul3A_245 : i32
          %dma_start3A_247 = tpu.memref_slice %arg8[%add3A_246] : memref<160000xi32, #tpu.memory_space<hbm>> -> memref<80xi32, #tpu.memory_space<hbm>>
          %dma_start3A_248 = tpu.memref_slice %arg8[%add3A_246] : memref<160000xi32, #tpu.memory_space<hbm>> -> memref<80xi32, #tpu.memory_space<hbm>>
          tpu.enqueue_dma source(%dma_start3A_248 : memref<80xi32, #tpu.memory_space<hbm>>) target(%arg12 : memref<80xi32, #tpu.memory_space<vmem>>) target_semaphore(%arg21 : memref<!tpu.dma_semaphore, #tpu.memory_space<semaphore_mem>>)
          %dma_start3A_249 = tpu.memref_slice %arg9[%add3A_246] : memref<160000xi32, #tpu.memory_space<hbm>> -> memref<80xi32, #tpu.memory_space<hbm>>
          %dma_start3A_250 = tpu.memref_slice %arg9[%add3A_246] : memref<160000xi32, #tpu.memory_space<hbm>> -> memref<80xi32, #tpu.memory_space<hbm>>
          tpu.enqueue_dma source(%dma_start3A_250 : memref<80xi32, #tpu.memory_space<hbm>>) target(%arg14 : memref<80xi32, #tpu.memory_space<vmem>>) target_semaphore(%arg23 : memref<!tpu.dma_semaphore, #tpu.memory_space<semaphore_mem>>)
          %dma_start3A_251 = arith.constant 0 : i32
          %dma_start3A_252 = tpu.memref_slice %arg5[%add3A_246, %dma_start3A_251] : memref<160000x128xf32, #tpu.memory_space<hbm>> -> memref<80x128xf32, #tpu.memory_space<hbm>>
          %dma_start3A_253 = arith.constant 0 : i32
          %dma_start3A_254 = tpu.memref_slice %arg5[%add3A_246, %dma_start3A_253] : memref<160000x128xf32, #tpu.memory_space<hbm>> -> memref<80x128xf32, #tpu.memory_space<hbm>>
          tpu.enqueue_dma source(%dma_start3A_254 : memref<80x128xf32, #tpu.memory_space<hbm>>) target(%arg18 : memref<80x128xf32, #tpu.memory_space<vmem>>) target_semaphore(%arg25 : memref<!tpu.dma_semaphore, #tpu.memory_space<semaphore_mem>>)
        } else {
        }
        %dma_wait3A_232 = arith.constant 0 : i32
        %dma_wait3A_233 = arith.constant 0 : i32
        %dma_wait3A_234 = tpu.memref_slice %arg3[%dma_wait3A_232, %dma_wait3A_233] : memref<10000x128xf32, #tpu.memory_space<hbm>> -> memref<10000x128xf32, #tpu.memory_space<hbm>>
        tpu.wait_indirect_dma semaphore(%arg26 : memref<!tpu.dma_semaphore, #tpu.memory_space<semaphore_mem>>) src(%dma_wait3A_234 : memref<10000x128xf32, #tpu.memory_space<hbm>>) dst(%arg15 : memref<80x128xf32, #tpu.memory_space<vmem>>)
        %dma_start3A_235 = arith.constant 0 : i32
        %dma_start3A_236 = arith.constant 0 : i32
        %dma_start3A_237 = tpu.memref_slice %arg19[%dma_start3A_235, %dma_start3A_236] : memref<10240x128xf32, #tpu.memory_space<vmem_shared>> -> memref<10240x128xf32, #tpu.memory_space<vmem_shared>>
        tpu.enqueue_indirect_dma source(%arg15 : memref<80x128xf32, #tpu.memory_space<vmem>>) target(%dma_start3A_237 : memref<10240x128xf32, #tpu.memory_space<vmem_shared>>) offsets(%arg13 : memref<80xi32, #tpu.memory_space<vmem>>) semaphore(%arg28 : memref<!tpu.dma_semaphore, #tpu.memory_space<semaphore_mem>>) {add = true}
        %dma_start3A_238 = arith.constant 0 : i32
        %dma_start3A_239 = arith.constant 0 : i32
        %dma_start3A_240 = tpu.memref_slice %arg19[%dma_start3A_238, %dma_start3A_239] : memref<10240x128xf32, #tpu.memory_space<vmem_shared>> -> memref<10240x128xf32, #tpu.memory_space<vmem_shared>>
        tpu.enqueue_indirect_dma source(%arg17 : memref<80x128xf32, #tpu.memory_space<vmem>>) target(%dma_start3A_240 : memref<10240x128xf32, #tpu.memory_space<vmem_shared>>) offsets(%arg13 : memref<80xi32, #tpu.memory_space<vmem>>) semaphore(%arg30 : memref<!tpu.dma_semaphore, #tpu.memory_space<semaphore_mem>>) {add = true}
        %scan3A_241 = arith.constant 0 : i32
        scf.yield %scan3A_241 : i32
      }
      %scan3A_129 = arith.constant 62 : i32
      %dma_wait3A_130 = arith.constant 0 : i32
      %dma_wait3A_131 = arith.constant 0 : i32
      %dma_wait3A_132 = tpu.memref_slice %arg19[%dma_wait3A_130, %dma_wait3A_131] : memref<10240x128xf32, #tpu.memory_space<vmem_shared>> -> memref<80x128xf32, #tpu.memory_space<vmem_shared>>
      %dma_wait3A_133 = arith.constant 0 : i32
      %dma_wait3A_134 = arith.constant 0 : i32
      %dma_wait3A_135 = tpu.memref_slice %arg19[%dma_wait3A_133, %dma_wait3A_134] : memref<10240x128xf32, #tpu.memory_space<vmem_shared>> -> memref<80x128xf32, #tpu.memory_space<vmem_shared>>
      tpu.wait_dma2 semaphore(%arg28 : memref<!tpu.dma_semaphore, #tpu.memory_space<semaphore_mem>>) src(%arg15 : memref<80x128xf32, #tpu.memory_space<vmem>>) dst(%dma_wait3A_135 : memref<80x128xf32, #tpu.memory_space<vmem_shared>>)
      %dma_wait3A_136 = arith.constant 0 : i32
      %dma_wait3A_137 = arith.constant 0 : i32
      %dma_wait3A_138 = tpu.memref_slice %arg19[%dma_wait3A_136, %dma_wait3A_137] : memref<10240x128xf32, #tpu.memory_space<vmem_shared>> -> memref<80x128xf32, #tpu.memory_space<vmem_shared>>
      %dma_wait3A_139 = arith.constant 0 : i32
      %dma_wait3A_140 = arith.constant 0 : i32
      %dma_wait3A_141 = tpu.memref_slice %arg19[%dma_wait3A_139, %dma_wait3A_140] : memref<10240x128xf32, #tpu.memory_space<vmem_shared>> -> memref<80x128xf32, #tpu.memory_space<vmem_shared>>
      tpu.wait_dma2 semaphore(%arg30 : memref<!tpu.dma_semaphore, #tpu.memory_space<semaphore_mem>>) src(%arg17 : memref<80x128xf32, #tpu.memory_space<vmem>>) dst(%dma_wait3A_141 : memref<80x128xf32, #tpu.memory_space<vmem_shared>>)
    } else {
    }
    %barrier3A_44 = arith.constant 0 : index
    tpu.barrier barrier_id(%barrier3A_44)
    %mul3A_45 = arith.constant 640 : i32
    %mul3A_46 = arith.muli %arg1, %mul3A_45 : i32
    %add3A_47 = arith.constant 0 : i32
    %add3A_48 = arith.addi %mul3A_46, %add3A_47 : i32
    "tpu.region"() ({
      %run_scoped3A = tpu.sem_alloc : memref<!tpu.dma_semaphore, #tpu.memory_space<semaphore_mem>>
      %dma_start3A = arith.constant 0 : i32
      %dma_start3A_77 = tpu.memref_slice %arg19[%add3A_48, %dma_start3A] : memref<10240x128xf32, #tpu.memory_space<vmem_shared>> -> memref<80x128xf32, #tpu.memory_space<vmem_shared>>
      %dma_start3A_78 = arith.constant 0 : i32
      %dma_start3A_79 = tpu.memref_slice %arg19[%add3A_48, %dma_start3A_78] : memref<10240x128xf32, #tpu.memory_space<vmem_shared>> -> memref<80x128xf32, #tpu.memory_space<vmem_shared>>
      tpu.enqueue_dma source(%dma_start3A_79 : memref<80x128xf32, #tpu.memory_space<vmem_shared>>) target(%arg15 : memref<80x128xf32, #tpu.memory_space<vmem>>) target_semaphore(%run_scoped3A : memref<!tpu.dma_semaphore, #tpu.memory_space<semaphore_mem>>)
      %dma_wait3A = arith.constant 0 : i32
      %dma_wait3A_80 = tpu.memref_slice %arg19[%add3A_48, %dma_wait3A] : memref<10240x128xf32, #tpu.memory_space<vmem_shared>> -> memref<80x128xf32, #tpu.memory_space<vmem_shared>>
      %dma_wait3A_81 = arith.constant 0 : i32
      %dma_wait3A_82 = tpu.memref_slice %arg19[%add3A_48, %dma_wait3A_81] : memref<10240x128xf32, #tpu.memory_space<vmem_shared>> -> memref<80x128xf32, #tpu.memory_space<vmem_shared>>
      tpu.wait_dma2 semaphore(%run_scoped3A : memref<!tpu.dma_semaphore, #tpu.memory_space<semaphore_mem>>) src(%dma_wait3A_82 : memref<80x128xf32, #tpu.memory_space<vmem_shared>>) dst(%arg15 : memref<80x128xf32, #tpu.memory_space<vmem>>)
      tpu.yield
    }) : () -> ()
    "tpu.region"() ({
      %run_scoped3A = tpu.sem_alloc : memref<!tpu.dma_semaphore, #tpu.memory_space<semaphore_mem>>
      %dma_start3A = arith.constant 0 : i32
      %dma_start3A_77 = tpu.memref_slice %arg10[%arg0, %add3A_48, %dma_start3A] : memref<2x10240x128xf32, #tpu.memory_space<hbm>> -> memref<1x80x128xf32, #tpu.memory_space<hbm>>
      %dma_start3A_78 = tpu.memref_squeeze %dma_start3A_77 : memref<1x80x128xf32, #tpu.memory_space<hbm>> -> memref<80x128xf32, #tpu.memory_space<hbm>>
      %dma_start3A_79 = arith.constant 0 : i32
      %dma_start3A_80 = tpu.memref_slice %arg10[%arg0, %add3A_48, %dma_start3A_79] : memref<2x10240x128xf32, #tpu.memory_space<hbm>> -> memref<1x80x128xf32, #tpu.memory_space<hbm>>
      %dma_start3A_81 = tpu.memref_squeeze %dma_start3A_80 : memref<1x80x128xf32, #tpu.memory_space<hbm>> -> memref<80x128xf32, #tpu.memory_space<hbm>>
      tpu.enqueue_dma source(%arg15 : memref<80x128xf32, #tpu.memory_space<vmem>>) target(%dma_start3A_81 : memref<80x128xf32, #tpu.memory_space<hbm>>) target_semaphore(%run_scoped3A : memref<!tpu.dma_semaphore, #tpu.memory_space<semaphore_mem>>)
      %dma_wait3A = arith.constant 0 : i32
      %dma_wait3A_82 = tpu.memref_slice %arg10[%arg0, %add3A_48, %dma_wait3A] : memref<2x10240x128xf32, #tpu.memory_space<hbm>> -> memref<1x80x128xf32, #tpu.memory_space<hbm>>
      %dma_wait3A_83 = tpu.memref_squeeze %dma_wait3A_82 : memref<1x80x128xf32, #tpu.memory_space<hbm>> -> memref<80x128xf32, #tpu.memory_space<hbm>>
      %dma_wait3A_84 = arith.constant 0 : i32
      %dma_wait3A_85 = tpu.memref_slice %arg10[%arg0, %add3A_48, %dma_wait3A_84] : memref<2x10240x128xf32, #tpu.memory_space<hbm>> -> memref<1x80x128xf32, #tpu.memory_space<hbm>>
      %dma_wait3A_86 = tpu.memref_squeeze %dma_wait3A_85 : memref<1x80x128xf32, #tpu.memory_space<hbm>> -> memref<80x128xf32, #tpu.memory_space<hbm>>
      tpu.wait_dma2 semaphore(%run_scoped3A : memref<!tpu.dma_semaphore, #tpu.memory_space<semaphore_mem>>) src(%arg15 : memref<80x128xf32, #tpu.memory_space<vmem>>) dst(%dma_wait3A_86 : memref<80x128xf32, #tpu.memory_space<hbm>>)
      tpu.yield
    }) : () -> ()
    %mul3A_49 = arith.constant 640 : i32
    %mul3A_50 = arith.muli %arg1, %mul3A_49 : i32
    %add3A_51 = arith.constant 80 : i32
    %add3A_52 = arith.addi %mul3A_50, %add3A_51 : i32
    "tpu.region"() ({
      %run_scoped3A = tpu.sem_alloc : memref<!tpu.dma_semaphore, #tpu.memory_space<semaphore_mem>>
      %dma_start3A = arith.constant 0 : i32
      %dma_start3A_77 = tpu.memref_slice %arg19[%add3A_52, %dma_start3A] : memref<10240x128xf32, #tpu.memory_space<vmem_shared>> -> memref<80x128xf32, #tpu.memory_space<vmem_shared>>
      %dma_start3A_78 = arith.constant 0 : i32
      %dma_start3A_79 = tpu.memref_slice %arg19[%add3A_52, %dma_start3A_78] : memref<10240x128xf32, #tpu.memory_space<vmem_shared>> -> memref<80x128xf32, #tpu.memory_space<vmem_shared>>
      tpu.enqueue_dma source(%dma_start3A_79 : memref<80x128xf32, #tpu.memory_space<vmem_shared>>) target(%arg15 : memref<80x128xf32, #tpu.memory_space<vmem>>) target_semaphore(%run_scoped3A : memref<!tpu.dma_semaphore, #tpu.memory_space<semaphore_mem>>)
      %dma_wait3A = arith.constant 0 : i32
      %dma_wait3A_80 = tpu.memref_slice %arg19[%add3A_52, %dma_wait3A] : memref<10240x128xf32, #tpu.memory_space<vmem_shared>> -> memref<80x128xf32, #tpu.memory_space<vmem_shared>>
      %dma_wait3A_81 = arith.constant 0 : i32
      %dma_wait3A_82 = tpu.memref_slice %arg19[%add3A_52, %dma_wait3A_81] : memref<10240x128xf32, #tpu.memory_space<vmem_shared>> -> memref<80x128xf32, #tpu.memory_space<vmem_shared>>
      tpu.wait_dma2 semaphore(%run_scoped3A : memref<!tpu.dma_semaphore, #tpu.memory_space<semaphore_mem>>) src(%dma_wait3A_82 : memref<80x128xf32, #tpu.memory_space<vmem_shared>>) dst(%arg15 : memref<80x128xf32, #tpu.memory_space<vmem>>)
      tpu.yield
    }) : () -> ()
    "tpu.region"() ({
      %run_scoped3A = tpu.sem_alloc : memref<!tpu.dma_semaphore, #tpu.memory_space<semaphore_mem>>
      %dma_start3A = arith.constant 0 : i32
      %dma_start3A_77 = tpu.memref_slice %arg10[%arg0, %add3A_52, %dma_start3A] : memref<2x10240x128xf32, #tpu.memory_space<hbm>> -> memref<1x80x128xf32, #tpu.memory_space<hbm>>
      %dma_start3A_78 = tpu.memref_squeeze %dma_start3A_77 : memref<1x80x128xf32, #tpu.memory_space<hbm>> -> memref<80x128xf32, #tpu.memory_space<hbm>>
      %dma_start3A_79 = arith.constant 0 : i32
      %dma_start3A_80 = tpu.memref_slice %arg10[%arg0, %add3A_52, %dma_start3A_79] : memref<2x10240x128xf32, #tpu.memory_space<hbm>> -> memref<1x80x128xf32, #tpu.memory_space<hbm>>
      %dma_start3A_81 = tpu.memref_squeeze %dma_start3A_80 : memref<1x80x128xf32, #tpu.memory_space<hbm>> -> memref<80x128xf32, #tpu.memory_space<hbm>>
      tpu.enqueue_dma source(%arg15 : memref<80x128xf32, #tpu.memory_space<vmem>>) target(%dma_start3A_81 : memref<80x128xf32, #tpu.memory_space<hbm>>) target_semaphore(%run_scoped3A : memref<!tpu.dma_semaphore, #tpu.memory_space<semaphore_mem>>)
      %dma_wait3A = arith.constant 0 : i32
      %dma_wait3A_82 = tpu.memref_slice %arg10[%arg0, %add3A_52, %dma_wait3A] : memref<2x10240x128xf32, #tpu.memory_space<hbm>> -> memref<1x80x128xf32, #tpu.memory_space<hbm>>
      %dma_wait3A_83 = tpu.memref_squeeze %dma_wait3A_82 : memref<1x80x128xf32, #tpu.memory_space<hbm>> -> memref<80x128xf32, #tpu.memory_space<hbm>>
      %dma_wait3A_84 = arith.constant 0 : i32
      %dma_wait3A_85 = tpu.memref_slice %arg10[%arg0, %add3A_52, %dma_wait3A_84] : memref<2x10240x128xf32, #tpu.memory_space<hbm>> -> memref<1x80x128xf32, #tpu.memory_space<hbm>>
      %dma_wait3A_86 = tpu.memref_squeeze %dma_wait3A_85 : memref<1x80x128xf32, #tpu.memory_space<hbm>> -> memref<80x128xf32, #tpu.memory_space<hbm>>
      tpu.wait_dma2 semaphore(%run_scoped3A : memref<!tpu.dma_semaphore, #tpu.memory_space<semaphore_mem>>) src(%arg15 : memref<80x128xf32, #tpu.memory_space<vmem>>) dst(%dma_wait3A_86 : memref<80x128xf32, #tpu.memory_space<hbm>>)
      tpu.yield
    }) : () -> ()
    %mul3A_53 = arith.constant 640 : i32
    %mul3A_54 = arith.muli %arg1, %mul3A_53 : i32
    %add3A_55 = arith.constant 160 : i32
    %add3A_56 = arith.addi %mul3A_54, %add3A_55 : i32
    "tpu.region"() ({
      %run_scoped3A = tpu.sem_alloc : memref<!tpu.dma_semaphore, #tpu.memory_space<semaphore_mem>>
      %dma_start3A = arith.constant 0 : i32
      %dma_start3A_77 = tpu.memref_slice %arg19[%add3A_56, %dma_start3A] : memref<10240x128xf32, #tpu.memory_space<vmem_shared>> -> memref<80x128xf32, #tpu.memory_space<vmem_shared>>
      %dma_start3A_78 = arith.constant 0 : i32
      %dma_start3A_79 = tpu.memref_slice %arg19[%add3A_56, %dma_start3A_78] : memref<10240x128xf32, #tpu.memory_space<vmem_shared>> -> memref<80x128xf32, #tpu.memory_space<vmem_shared>>
      tpu.enqueue_dma source(%dma_start3A_79 : memref<80x128xf32, #tpu.memory_space<vmem_shared>>) target(%arg15 : memref<80x128xf32, #tpu.memory_space<vmem>>) target_semaphore(%run_scoped3A : memref<!tpu.dma_semaphore, #tpu.memory_space<semaphore_mem>>)
      %dma_wait3A = arith.constant 0 : i32
      %dma_wait3A_80 = tpu.memref_slice %arg19[%add3A_56, %dma_wait3A] : memref<10240x128xf32, #tpu.memory_space<vmem_shared>> -> memref<80x128xf32, #tpu.memory_space<vmem_shared>>
      %dma_wait3A_81 = arith.constant 0 : i32
      %dma_wait3A_82 = tpu.memref_slice %arg19[%add3A_56, %dma_wait3A_81] : memref<10240x128xf32, #tpu.memory_space<vmem_shared>> -> memref<80x128xf32, #tpu.memory_space<vmem_shared>>
      tpu.wait_dma2 semaphore(%run_scoped3A : memref<!tpu.dma_semaphore, #tpu.memory_space<semaphore_mem>>) src(%dma_wait3A_82 : memref<80x128xf32, #tpu.memory_space<vmem_shared>>) dst(%arg15 : memref<80x128xf32, #tpu.memory_space<vmem>>)
      tpu.yield
    }) : () -> ()
    "tpu.region"() ({
      %run_scoped3A = tpu.sem_alloc : memref<!tpu.dma_semaphore, #tpu.memory_space<semaphore_mem>>
      %dma_start3A = arith.constant 0 : i32
      %dma_start3A_77 = tpu.memref_slice %arg10[%arg0, %add3A_56, %dma_start3A] : memref<2x10240x128xf32, #tpu.memory_space<hbm>> -> memref<1x80x128xf32, #tpu.memory_space<hbm>>
      %dma_start3A_78 = tpu.memref_squeeze %dma_start3A_77 : memref<1x80x128xf32, #tpu.memory_space<hbm>> -> memref<80x128xf32, #tpu.memory_space<hbm>>
      %dma_start3A_79 = arith.constant 0 : i32
      %dma_start3A_80 = tpu.memref_slice %arg10[%arg0, %add3A_56, %dma_start3A_79] : memref<2x10240x128xf32, #tpu.memory_space<hbm>> -> memref<1x80x128xf32, #tpu.memory_space<hbm>>
      %dma_start3A_81 = tpu.memref_squeeze %dma_start3A_80 : memref<1x80x128xf32, #tpu.memory_space<hbm>> -> memref<80x128xf32, #tpu.memory_space<hbm>>
      tpu.enqueue_dma source(%arg15 : memref<80x128xf32, #tpu.memory_space<vmem>>) target(%dma_start3A_81 : memref<80x128xf32, #tpu.memory_space<hbm>>) target_semaphore(%run_scoped3A : memref<!tpu.dma_semaphore, #tpu.memory_space<semaphore_mem>>)
      %dma_wait3A = arith.constant 0 : i32
      %dma_wait3A_82 = tpu.memref_slice %arg10[%arg0, %add3A_56, %dma_wait3A] : memref<2x10240x128xf32, #tpu.memory_space<hbm>> -> memref<1x80x128xf32, #tpu.memory_space<hbm>>
      %dma_wait3A_83 = tpu.memref_squeeze %dma_wait3A_82 : memref<1x80x128xf32, #tpu.memory_space<hbm>> -> memref<80x128xf32, #tpu.memory_space<hbm>>
      %dma_wait3A_84 = arith.constant 0 : i32
      %dma_wait3A_85 = tpu.memref_slice %arg10[%arg0, %add3A_56, %dma_wait3A_84] : memref<2x10240x128xf32, #tpu.memory_space<hbm>> -> memref<1x80x128xf32, #tpu.memory_space<hbm>>
      %dma_wait3A_86 = tpu.memref_squeeze %dma_wait3A_85 : memref<1x80x128xf32, #tpu.memory_space<hbm>> -> memref<80x128xf32, #tpu.memory_space<hbm>>
      tpu.wait_dma2 semaphore(%run_scoped3A : memref<!tpu.dma_semaphore, #tpu.memory_space<semaphore_mem>>) src(%arg15 : memref<80x128xf32, #tpu.memory_space<vmem>>) dst(%dma_wait3A_86 : memref<80x128xf32, #tpu.memory_space<hbm>>)
      tpu.yield
    }) : () -> ()
    %mul3A_57 = arith.constant 640 : i32
    %mul3A_58 = arith.muli %arg1, %mul3A_57 : i32
    %add3A_59 = arith.constant 240 : i32
    %add3A_60 = arith.addi %mul3A_58, %add3A_59 : i32
    "tpu.region"() ({
      %run_scoped3A = tpu.sem_alloc : memref<!tpu.dma_semaphore, #tpu.memory_space<semaphore_mem>>
      %dma_start3A = arith.constant 0 : i32
      %dma_start3A_77 = tpu.memref_slice %arg19[%add3A_60, %dma_start3A] : memref<10240x128xf32, #tpu.memory_space<vmem_shared>> -> memref<80x128xf32, #tpu.memory_space<vmem_shared>>
      %dma_start3A_78 = arith.constant 0 : i32
      %dma_start3A_79 = tpu.memref_slice %arg19[%add3A_60, %dma_start3A_78] : memref<10240x128xf32, #tpu.memory_space<vmem_shared>> -> memref<80x128xf32, #tpu.memory_space<vmem_shared>>
      tpu.enqueue_dma source(%dma_start3A_79 : memref<80x128xf32, #tpu.memory_space<vmem_shared>>) target(%arg15 : memref<80x128xf32, #tpu.memory_space<vmem>>) target_semaphore(%run_scoped3A : memref<!tpu.dma_semaphore, #tpu.memory_space<semaphore_mem>>)
      %dma_wait3A = arith.constant 0 : i32
      %dma_wait3A_80 = tpu.memref_slice %arg19[%add3A_60, %dma_wait3A] : memref<10240x128xf32, #tpu.memory_space<vmem_shared>> -> memref<80x128xf32, #tpu.memory_space<vmem_shared>>
      %dma_wait3A_81 = arith.constant 0 : i32
      %dma_wait3A_82 = tpu.memref_slice %arg19[%add3A_60, %dma_wait3A_81] : memref<10240x128xf32, #tpu.memory_space<vmem_shared>> -> memref<80x128xf32, #tpu.memory_space<vmem_shared>>
      tpu.wait_dma2 semaphore(%run_scoped3A : memref<!tpu.dma_semaphore, #tpu.memory_space<semaphore_mem>>) src(%dma_wait3A_82 : memref<80x128xf32, #tpu.memory_space<vmem_shared>>) dst(%arg15 : memref<80x128xf32, #tpu.memory_space<vmem>>)
      tpu.yield
    }) : () -> ()
    "tpu.region"() ({
      %run_scoped3A = tpu.sem_alloc : memref<!tpu.dma_semaphore, #tpu.memory_space<semaphore_mem>>
      %dma_start3A = arith.constant 0 : i32
      %dma_start3A_77 = tpu.memref_slice %arg10[%arg0, %add3A_60, %dma_start3A] : memref<2x10240x128xf32, #tpu.memory_space<hbm>> -> memref<1x80x128xf32, #tpu.memory_space<hbm>>
      %dma_start3A_78 = tpu.memref_squeeze %dma_start3A_77 : memref<1x80x128xf32, #tpu.memory_space<hbm>> -> memref<80x128xf32, #tpu.memory_space<hbm>>
      %dma_start3A_79 = arith.constant 0 : i32
      %dma_start3A_80 = tpu.memref_slice %arg10[%arg0, %add3A_60, %dma_start3A_79] : memref<2x10240x128xf32, #tpu.memory_space<hbm>> -> memref<1x80x128xf32, #tpu.memory_space<hbm>>
      %dma_start3A_81 = tpu.memref_squeeze %dma_start3A_80 : memref<1x80x128xf32, #tpu.memory_space<hbm>> -> memref<80x128xf32, #tpu.memory_space<hbm>>
      tpu.enqueue_dma source(%arg15 : memref<80x128xf32, #tpu.memory_space<vmem>>) target(%dma_start3A_81 : memref<80x128xf32, #tpu.memory_space<hbm>>) target_semaphore(%run_scoped3A : memref<!tpu.dma_semaphore, #tpu.memory_space<semaphore_mem>>)
      %dma_wait3A = arith.constant 0 : i32
      %dma_wait3A_82 = tpu.memref_slice %arg10[%arg0, %add3A_60, %dma_wait3A] : memref<2x10240x128xf32, #tpu.memory_space<hbm>> -> memref<1x80x128xf32, #tpu.memory_space<hbm>>
      %dma_wait3A_83 = tpu.memref_squeeze %dma_wait3A_82 : memref<1x80x128xf32, #tpu.memory_space<hbm>> -> memref<80x128xf32, #tpu.memory_space<hbm>>
      %dma_wait3A_84 = arith.constant 0 : i32
      %dma_wait3A_85 = tpu.memref_slice %arg10[%arg0, %add3A_60, %dma_wait3A_84] : memref<2x10240x128xf32, #tpu.memory_space<hbm>> -> memref<1x80x128xf32, #tpu.memory_space<hbm>>
      %dma_wait3A_86 = tpu.memref_squeeze %dma_wait3A_85 : memref<1x80x128xf32, #tpu.memory_space<hbm>> -> memref<80x128xf32, #tpu.memory_space<hbm>>
      tpu.wait_dma2 semaphore(%run_scoped3A : memref<!tpu.dma_semaphore, #tpu.memory_space<semaphore_mem>>) src(%arg15 : memref<80x128xf32, #tpu.memory_space<vmem>>) dst(%dma_wait3A_86 : memref<80x128xf32, #tpu.memory_space<hbm>>)
      tpu.yield
    }) : () -> ()
    %mul3A_61 = arith.constant 640 : i32
    %mul3A_62 = arith.muli %arg1, %mul3A_61 : i32
    %add3A_63 = arith.constant 320 : i32
    %add3A_64 = arith.addi %mul3A_62, %add3A_63 : i32
    "tpu.region"() ({
      %run_scoped3A = tpu.sem_alloc : memref<!tpu.dma_semaphore, #tpu.memory_space<semaphore_mem>>
      %dma_start3A = arith.constant 0 : i32
      %dma_start3A_77 = tpu.memref_slice %arg19[%add3A_64, %dma_start3A] : memref<10240x128xf32, #tpu.memory_space<vmem_shared>> -> memref<80x128xf32, #tpu.memory_space<vmem_shared>>
      %dma_start3A_78 = arith.constant 0 : i32
      %dma_start3A_79 = tpu.memref_slice %arg19[%add3A_64, %dma_start3A_78] : memref<10240x128xf32, #tpu.memory_space<vmem_shared>> -> memref<80x128xf32, #tpu.memory_space<vmem_shared>>
      tpu.enqueue_dma source(%dma_start3A_79 : memref<80x128xf32, #tpu.memory_space<vmem_shared>>) target(%arg15 : memref<80x128xf32, #tpu.memory_space<vmem>>) target_semaphore(%run_scoped3A : memref<!tpu.dma_semaphore, #tpu.memory_space<semaphore_mem>>)
      %dma_wait3A = arith.constant 0 : i32
      %dma_wait3A_80 = tpu.memref_slice %arg19[%add3A_64, %dma_wait3A] : memref<10240x128xf32, #tpu.memory_space<vmem_shared>> -> memref<80x128xf32, #tpu.memory_space<vmem_shared>>
      %dma_wait3A_81 = arith.constant 0 : i32
      %dma_wait3A_82 = tpu.memref_slice %arg19[%add3A_64, %dma_wait3A_81] : memref<10240x128xf32, #tpu.memory_space<vmem_shared>> -> memref<80x128xf32, #tpu.memory_space<vmem_shared>>
      tpu.wait_dma2 semaphore(%run_scoped3A : memref<!tpu.dma_semaphore, #tpu.memory_space<semaphore_mem>>) src(%dma_wait3A_82 : memref<80x128xf32, #tpu.memory_space<vmem_shared>>) dst(%arg15 : memref<80x128xf32, #tpu.memory_space<vmem>>)
      tpu.yield
    }) : () -> ()
    "tpu.region"() ({
      %run_scoped3A = tpu.sem_alloc : memref<!tpu.dma_semaphore, #tpu.memory_space<semaphore_mem>>
      %dma_start3A = arith.constant 0 : i32
      %dma_start3A_77 = tpu.memref_slice %arg10[%arg0, %add3A_64, %dma_start3A] : memref<2x10240x128xf32, #tpu.memory_space<hbm>> -> memref<1x80x128xf32, #tpu.memory_space<hbm>>
      %dma_start3A_78 = tpu.memref_squeeze %dma_start3A_77 : memref<1x80x128xf32, #tpu.memory_space<hbm>> -> memref<80x128xf32, #tpu.memory_space<hbm>>
      %dma_start3A_79 = arith.constant 0 : i32
      %dma_start3A_80 = tpu.memref_slice %arg10[%arg0, %add3A_64, %dma_start3A_79] : memref<2x10240x128xf32, #tpu.memory_space<hbm>> -> memref<1x80x128xf32, #tpu.memory_space<hbm>>
      %dma_start3A_81 = tpu.memref_squeeze %dma_start3A_80 : memref<1x80x128xf32, #tpu.memory_space<hbm>> -> memref<80x128xf32, #tpu.memory_space<hbm>>
      tpu.enqueue_dma source(%arg15 : memref<80x128xf32, #tpu.memory_space<vmem>>) target(%dma_start3A_81 : memref<80x128xf32, #tpu.memory_space<hbm>>) target_semaphore(%run_scoped3A : memref<!tpu.dma_semaphore, #tpu.memory_space<semaphore_mem>>)
      %dma_wait3A = arith.constant 0 : i32
      %dma_wait3A_82 = tpu.memref_slice %arg10[%arg0, %add3A_64, %dma_wait3A] : memref<2x10240x128xf32, #tpu.memory_space<hbm>> -> memref<1x80x128xf32, #tpu.memory_space<hbm>>
      %dma_wait3A_83 = tpu.memref_squeeze %dma_wait3A_82 : memref<1x80x128xf32, #tpu.memory_space<hbm>> -> memref<80x128xf32, #tpu.memory_space<hbm>>
      %dma_wait3A_84 = arith.constant 0 : i32
      %dma_wait3A_85 = tpu.memref_slice %arg10[%arg0, %add3A_64, %dma_wait3A_84] : memref<2x10240x128xf32, #tpu.memory_space<hbm>> -> memref<1x80x128xf32, #tpu.memory_space<hbm>>
      %dma_wait3A_86 = tpu.memref_squeeze %dma_wait3A_85 : memref<1x80x128xf32, #tpu.memory_space<hbm>> -> memref<80x128xf32, #tpu.memory_space<hbm>>
      tpu.wait_dma2 semaphore(%run_scoped3A : memref<!tpu.dma_semaphore, #tpu.memory_space<semaphore_mem>>) src(%arg15 : memref<80x128xf32, #tpu.memory_space<vmem>>) dst(%dma_wait3A_86 : memref<80x128xf32, #tpu.memory_space<hbm>>)
      tpu.yield
    }) : () -> ()
    %mul3A_65 = arith.constant 640 : i32
    %mul3A_66 = arith.muli %arg1, %mul3A_65 : i32
    %add3A_67 = arith.constant 400 : i32
    %add3A_68 = arith.addi %mul3A_66, %add3A_67 : i32
    "tpu.region"() ({
      %run_scoped3A = tpu.sem_alloc : memref<!tpu.dma_semaphore, #tpu.memory_space<semaphore_mem>>
      %dma_start3A = arith.constant 0 : i32
      %dma_start3A_77 = tpu.memref_slice %arg19[%add3A_68, %dma_start3A] : memref<10240x128xf32, #tpu.memory_space<vmem_shared>> -> memref<80x128xf32, #tpu.memory_space<vmem_shared>>
      %dma_start3A_78 = arith.constant 0 : i32
      %dma_start3A_79 = tpu.memref_slice %arg19[%add3A_68, %dma_start3A_78] : memref<10240x128xf32, #tpu.memory_space<vmem_shared>> -> memref<80x128xf32, #tpu.memory_space<vmem_shared>>
      tpu.enqueue_dma source(%dma_start3A_79 : memref<80x128xf32, #tpu.memory_space<vmem_shared>>) target(%arg15 : memref<80x128xf32, #tpu.memory_space<vmem>>) target_semaphore(%run_scoped3A : memref<!tpu.dma_semaphore, #tpu.memory_space<semaphore_mem>>)
      %dma_wait3A = arith.constant 0 : i32
      %dma_wait3A_80 = tpu.memref_slice %arg19[%add3A_68, %dma_wait3A] : memref<10240x128xf32, #tpu.memory_space<vmem_shared>> -> memref<80x128xf32, #tpu.memory_space<vmem_shared>>
      %dma_wait3A_81 = arith.constant 0 : i32
      %dma_wait3A_82 = tpu.memref_slice %arg19[%add3A_68, %dma_wait3A_81] : memref<10240x128xf32, #tpu.memory_space<vmem_shared>> -> memref<80x128xf32, #tpu.memory_space<vmem_shared>>
      tpu.wait_dma2 semaphore(%run_scoped3A : memref<!tpu.dma_semaphore, #tpu.memory_space<semaphore_mem>>) src(%dma_wait3A_82 : memref<80x128xf32, #tpu.memory_space<vmem_shared>>) dst(%arg15 : memref<80x128xf32, #tpu.memory_space<vmem>>)
      tpu.yield
    }) : () -> ()
    "tpu.region"() ({
      %run_scoped3A = tpu.sem_alloc : memref<!tpu.dma_semaphore, #tpu.memory_space<semaphore_mem>>
      %dma_start3A = arith.constant 0 : i32
      %dma_start3A_77 = tpu.memref_slice %arg10[%arg0, %add3A_68, %dma_start3A] : memref<2x10240x128xf32, #tpu.memory_space<hbm>> -> memref<1x80x128xf32, #tpu.memory_space<hbm>>
      %dma_start3A_78 = tpu.memref_squeeze %dma_start3A_77 : memref<1x80x128xf32, #tpu.memory_space<hbm>> -> memref<80x128xf32, #tpu.memory_space<hbm>>
      %dma_start3A_79 = arith.constant 0 : i32
      %dma_start3A_80 = tpu.memref_slice %arg10[%arg0, %add3A_68, %dma_start3A_79] : memref<2x10240x128xf32, #tpu.memory_space<hbm>> -> memref<1x80x128xf32, #tpu.memory_space<hbm>>
      %dma_start3A_81 = tpu.memref_squeeze %dma_start3A_80 : memref<1x80x128xf32, #tpu.memory_space<hbm>> -> memref<80x128xf32, #tpu.memory_space<hbm>>
      tpu.enqueue_dma source(%arg15 : memref<80x128xf32, #tpu.memory_space<vmem>>) target(%dma_start3A_81 : memref<80x128xf32, #tpu.memory_space<hbm>>) target_semaphore(%run_scoped3A : memref<!tpu.dma_semaphore, #tpu.memory_space<semaphore_mem>>)
      %dma_wait3A = arith.constant 0 : i32
      %dma_wait3A_82 = tpu.memref_slice %arg10[%arg0, %add3A_68, %dma_wait3A] : memref<2x10240x128xf32, #tpu.memory_space<hbm>> -> memref<1x80x128xf32, #tpu.memory_space<hbm>>
      %dma_wait3A_83 = tpu.memref_squeeze %dma_wait3A_82 : memref<1x80x128xf32, #tpu.memory_space<hbm>> -> memref<80x128xf32, #tpu.memory_space<hbm>>
      %dma_wait3A_84 = arith.constant 0 : i32
      %dma_wait3A_85 = tpu.memref_slice %arg10[%arg0, %add3A_68, %dma_wait3A_84] : memref<2x10240x128xf32, #tpu.memory_space<hbm>> -> memref<1x80x128xf32, #tpu.memory_space<hbm>>
      %dma_wait3A_86 = tpu.memref_squeeze %dma_wait3A_85 : memref<1x80x128xf32, #tpu.memory_space<hbm>> -> memref<80x128xf32, #tpu.memory_space<hbm>>
      tpu.wait_dma2 semaphore(%run_scoped3A : memref<!tpu.dma_semaphore, #tpu.memory_space<semaphore_mem>>) src(%arg15 : memref<80x128xf32, #tpu.memory_space<vmem>>) dst(%dma_wait3A_86 : memref<80x128xf32, #tpu.memory_space<hbm>>)
      tpu.yield
    }) : () -> ()
    %mul3A_69 = arith.constant 640 : i32
    %mul3A_70 = arith.muli %arg1, %mul3A_69 : i32
    %add3A_71 = arith.constant 480 : i32
    %add3A_72 = arith.addi %mul3A_70, %add3A_71 : i32
    "tpu.region"() ({
      %run_scoped3A = tpu.sem_alloc : memref<!tpu.dma_semaphore, #tpu.memory_space<semaphore_mem>>
      %dma_start3A = arith.constant 0 : i32
      %dma_start3A_77 = tpu.memref_slice %arg19[%add3A_72, %dma_start3A] : memref<10240x128xf32, #tpu.memory_space<vmem_shared>> -> memref<80x128xf32, #tpu.memory_space<vmem_shared>>
      %dma_start3A_78 = arith.constant 0 : i32
      %dma_start3A_79 = tpu.memref_slice %arg19[%add3A_72, %dma_start3A_78] : memref<10240x128xf32, #tpu.memory_space<vmem_shared>> -> memref<80x128xf32, #tpu.memory_space<vmem_shared>>
      tpu.enqueue_dma source(%dma_start3A_79 : memref<80x128xf32, #tpu.memory_space<vmem_shared>>) target(%arg15 : memref<80x128xf32, #tpu.memory_space<vmem>>) target_semaphore(%run_scoped3A : memref<!tpu.dma_semaphore, #tpu.memory_space<semaphore_mem>>)
      %dma_wait3A = arith.constant 0 : i32
      %dma_wait3A_80 = tpu.memref_slice %arg19[%add3A_72, %dma_wait3A] : memref<10240x128xf32, #tpu.memory_space<vmem_shared>> -> memref<80x128xf32, #tpu.memory_space<vmem_shared>>
      %dma_wait3A_81 = arith.constant 0 : i32
      %dma_wait3A_82 = tpu.memref_slice %arg19[%add3A_72, %dma_wait3A_81] : memref<10240x128xf32, #tpu.memory_space<vmem_shared>> -> memref<80x128xf32, #tpu.memory_space<vmem_shared>>
      tpu.wait_dma2 semaphore(%run_scoped3A : memref<!tpu.dma_semaphore, #tpu.memory_space<semaphore_mem>>) src(%dma_wait3A_82 : memref<80x128xf32, #tpu.memory_space<vmem_shared>>) dst(%arg15 : memref<80x128xf32, #tpu.memory_space<vmem>>)
      tpu.yield
    }) : () -> ()
    "tpu.region"() ({
      %run_scoped3A = tpu.sem_alloc : memref<!tpu.dma_semaphore, #tpu.memory_space<semaphore_mem>>
      %dma_start3A = arith.constant 0 : i32
      %dma_start3A_77 = tpu.memref_slice %arg10[%arg0, %add3A_72, %dma_start3A] : memref<2x10240x128xf32, #tpu.memory_space<hbm>> -> memref<1x80x128xf32, #tpu.memory_space<hbm>>
      %dma_start3A_78 = tpu.memref_squeeze %dma_start3A_77 : memref<1x80x128xf32, #tpu.memory_space<hbm>> -> memref<80x128xf32, #tpu.memory_space<hbm>>
      %dma_start3A_79 = arith.constant 0 : i32
      %dma_start3A_80 = tpu.memref_slice %arg10[%arg0, %add3A_72, %dma_start3A_79] : memref<2x10240x128xf32, #tpu.memory_space<hbm>> -> memref<1x80x128xf32, #tpu.memory_space<hbm>>
      %dma_start3A_81 = tpu.memref_squeeze %dma_start3A_80 : memref<1x80x128xf32, #tpu.memory_space<hbm>> -> memref<80x128xf32, #tpu.memory_space<hbm>>
      tpu.enqueue_dma source(%arg15 : memref<80x128xf32, #tpu.memory_space<vmem>>) target(%dma_start3A_81 : memref<80x128xf32, #tpu.memory_space<hbm>>) target_semaphore(%run_scoped3A : memref<!tpu.dma_semaphore, #tpu.memory_space<semaphore_mem>>)
      %dma_wait3A = arith.constant 0 : i32
      %dma_wait3A_82 = tpu.memref_slice %arg10[%arg0, %add3A_72, %dma_wait3A] : memref<2x10240x128xf32, #tpu.memory_space<hbm>> -> memref<1x80x128xf32, #tpu.memory_space<hbm>>
      %dma_wait3A_83 = tpu.memref_squeeze %dma_wait3A_82 : memref<1x80x128xf32, #tpu.memory_space<hbm>> -> memref<80x128xf32, #tpu.memory_space<hbm>>
      %dma_wait3A_84 = arith.constant 0 : i32
      %dma_wait3A_85 = tpu.memref_slice %arg10[%arg0, %add3A_72, %dma_wait3A_84] : memref<2x10240x128xf32, #tpu.memory_space<hbm>> -> memref<1x80x128xf32, #tpu.memory_space<hbm>>
      %dma_wait3A_86 = tpu.memref_squeeze %dma_wait3A_85 : memref<1x80x128xf32, #tpu.memory_space<hbm>> -> memref<80x128xf32, #tpu.memory_space<hbm>>
      tpu.wait_dma2 semaphore(%run_scoped3A : memref<!tpu.dma_semaphore, #tpu.memory_space<semaphore_mem>>) src(%arg15 : memref<80x128xf32, #tpu.memory_space<vmem>>) dst(%dma_wait3A_86 : memref<80x128xf32, #tpu.memory_space<hbm>>)
      tpu.yield
    }) : () -> ()
    %mul3A_73 = arith.constant 640 : i32
    %mul3A_74 = arith.muli %arg1, %mul3A_73 : i32
    %add3A_75 = arith.constant 560 : i32
    %add3A_76 = arith.addi %mul3A_74, %add3A_75 : i32
    "tpu.region"() ({
      %run_scoped3A = tpu.sem_alloc : memref<!tpu.dma_semaphore, #tpu.memory_space<semaphore_mem>>
      %dma_start3A = arith.constant 0 : i32
      %dma_start3A_77 = tpu.memref_slice %arg19[%add3A_76, %dma_start3A] : memref<10240x128xf32, #tpu.memory_space<vmem_shared>> -> memref<80x128xf32, #tpu.memory_space<vmem_shared>>
      %dma_start3A_78 = arith.constant 0 : i32
      %dma_start3A_79 = tpu.memref_slice %arg19[%add3A_76, %dma_start3A_78] : memref<10240x128xf32, #tpu.memory_space<vmem_shared>> -> memref<80x128xf32, #tpu.memory_space<vmem_shared>>
      tpu.enqueue_dma source(%dma_start3A_79 : memref<80x128xf32, #tpu.memory_space<vmem_shared>>) target(%arg15 : memref<80x128xf32, #tpu.memory_space<vmem>>) target_semaphore(%run_scoped3A : memref<!tpu.dma_semaphore, #tpu.memory_space<semaphore_mem>>)
      %dma_wait3A = arith.constant 0 : i32
      %dma_wait3A_80 = tpu.memref_slice %arg19[%add3A_76, %dma_wait3A] : memref<10240x128xf32, #tpu.memory_space<vmem_shared>> -> memref<80x128xf32, #tpu.memory_space<vmem_shared>>
      %dma_wait3A_81 = arith.constant 0 : i32
      %dma_wait3A_82 = tpu.memref_slice %arg19[%add3A_76, %dma_wait3A_81] : memref<10240x128xf32, #tpu.memory_space<vmem_shared>> -> memref<80x128xf32, #tpu.memory_space<vmem_shared>>
      tpu.wait_dma2 semaphore(%run_scoped3A : memref<!tpu.dma_semaphore, #tpu.memory_space<semaphore_mem>>) src(%dma_wait3A_82 : memref<80x128xf32, #tpu.memory_space<vmem_shared>>) dst(%arg15 : memref<80x128xf32, #tpu.memory_space<vmem>>)
      tpu.yield
    }) : () -> ()
    "tpu.region"() ({
      %run_scoped3A = tpu.sem_alloc : memref<!tpu.dma_semaphore, #tpu.memory_space<semaphore_mem>>
      %dma_start3A = arith.constant 0 : i32
      %dma_start3A_77 = tpu.memref_slice %arg10[%arg0, %add3A_76, %dma_start3A] : memref<2x10240x128xf32, #tpu.memory_space<hbm>> -> memref<1x80x128xf32, #tpu.memory_space<hbm>>
      %dma_start3A_78 = tpu.memref_squeeze %dma_start3A_77 : memref<1x80x128xf32, #tpu.memory_space<hbm>> -> memref<80x128xf32, #tpu.memory_space<hbm>>
      %dma_start3A_79 = arith.constant 0 : i32
      %dma_start3A_80 = tpu.memref_slice %arg10[%arg0, %add3A_76, %dma_start3A_79] : memref<2x10240x128xf32, #tpu.memory_space<hbm>> -> memref<1x80x128xf32, #tpu.memory_space<hbm>>
      %dma_start3A_81 = tpu.memref_squeeze %dma_start3A_80 : memref<1x80x128xf32, #tpu.memory_space<hbm>> -> memref<80x128xf32, #tpu.memory_space<hbm>>
      tpu.enqueue_dma source(%arg15 : memref<80x128xf32, #tpu.memory_space<vmem>>) target(%dma_start3A_81 : memref<80x128xf32, #tpu.memory_space<hbm>>) target_semaphore(%run_scoped3A : memref<!tpu.dma_semaphore, #tpu.memory_space<semaphore_mem>>)
      %dma_wait3A = arith.constant 0 : i32
      %dma_wait3A_82 = tpu.memref_slice %arg10[%arg0, %add3A_76, %dma_wait3A] : memref<2x10240x128xf32, #tpu.memory_space<hbm>> -> memref<1x80x128xf32, #tpu.memory_space<hbm>>
      %dma_wait3A_83 = tpu.memref_squeeze %dma_wait3A_82 : memref<1x80x128xf32, #tpu.memory_space<hbm>> -> memref<80x128xf32, #tpu.memory_space<hbm>>
      %dma_wait3A_84 = arith.constant 0 : i32
      %dma_wait3A_85 = tpu.memref_slice %arg10[%arg0, %add3A_76, %dma_wait3A_84] : memref<2x10240x128xf32, #tpu.memory_space<hbm>> -> memref<1x80x128xf32, #tpu.memory_space<hbm>>
      %dma_wait3A_86 = tpu.memref_squeeze %dma_wait3A_85 : memref<1x80x128xf32, #tpu.memory_space<hbm>> -> memref<80x128xf32, #tpu.memory_space<hbm>>
      tpu.wait_dma2 semaphore(%run_scoped3A : memref<!tpu.dma_semaphore, #tpu.memory_space<semaphore_mem>>) src(%arg15 : memref<80x128xf32, #tpu.memory_space<vmem>>) dst(%dma_wait3A_86 : memref<80x128xf32, #tpu.memory_space<hbm>>)
      tpu.yield
    }) : () -> ()
    return
  }
}

module attributes {stable_mosaic.version = 14 : i64} {
  func.func @_tc_y_body(%arg0: i32, %arg1: memref<1000x128xf32, #tpu.memory_space<vmem>>, %arg2: memref<128x128xf32, #tpu.memory_space<vmem>>, %arg3: memref<128x128xf32, #tpu.memory_space<vmem>>, %arg4: memref<1000x128xf32, #tpu.memory_space<vmem>>, %arg5: memref<1000x128xf32, #tpu.memory_space<vmem>>) attributes {dimension_semantics = [#tpu.dimension_semantics<arbitrary>], iteration_bounds = array<i64: 10>, scalar_prefetch = 0 : i64, scratch_operands = 0 : i64, tpu.core_type = #tpu.core_type<tc>, window_params = [{transform_indices = @transform_0, window_bounds = array<i64: 1000, 128>}, {pipeline_mode = #tpu.pipeline_mode<synchronous>, transform_indices = @transform_1, window_bounds = array<i64: 128, 128>}, {pipeline_mode = #tpu.pipeline_mode<synchronous>, transform_indices = @transform_2, window_bounds = array<i64: 128, 128>}, {transform_indices = @transform_3, window_bounds = array<i64: 1000, 128>}, {transform_indices = @transform_4, window_bounds = array<i64: 1000, 128>}]} {
    %get3A = arith.constant 0 : index
    %get3A_0 = arith.constant 0 : index
    %get3A_1 = vector.load %arg1[%get3A, %get3A_0] : memref<1000x128xf32, #tpu.memory_space<vmem>>, vector<1000x128xf32>
    %get3A_2 = arith.constant 0 : index
    %get3A_3 = arith.constant 0 : index
    %get3A_4 = vector.load %arg2[%get3A_2, %get3A_3] : memref<128x128xf32, #tpu.memory_space<vmem>>, vector<128x128xf32>
    %dot_general3A = arith.constant dense<0.000000e+00> : vector<1000x128xf32>
    %dot_general3A_5 = tpu.matmul %get3A_1, %get3A_4, %dot_general3A {dimension_numbers = #tpu.dot_dimension_numbers<[1], [0], [0], [1], [0, 0, 1, 1], [], []>, transpose_lhs_hint = false} : vector<1000x128xf32>, vector<128x128xf32>, vector<1000x128xf32> -> vector<1000x128xf32>
    %swap3A = arith.constant 0 : index
    %swap3A_6 = arith.constant 0 : index
    %swap3A_7 = vector.load %arg4[%swap3A, %swap3A_6] : memref<1000x128xf32, #tpu.memory_space<vmem>>, vector<1000x128xf32>
    tpu.vector_store %arg4[%swap3A, %swap3A_6], %dot_general3A_5 {strides = array<i32>} : memref<1000x128xf32, #tpu.memory_space<vmem>>, vector<1000x128xf32>,
    %get3A_8 = arith.constant 0 : index
    %get3A_9 = arith.constant 0 : index
    %get3A_10 = vector.load %arg3[%get3A_8, %get3A_9] : memref<128x128xf32, #tpu.memory_space<vmem>>, vector<128x128xf32>
    %dot_general3A_11 = arith.constant dense<0.000000e+00> : vector<1000x128xf32>
    %dot_general3A_12 = tpu.matmul %get3A_1, %get3A_10, %dot_general3A_11 {dimension_numbers = #tpu.dot_dimension_numbers<[1], [0], [0], [1], [0, 0, 1, 1], [], []>, transpose_lhs_hint = false} : vector<1000x128xf32>, vector<128x128xf32>, vector<1000x128xf32> -> vector<1000x128xf32>
    %swap3A_13 = arith.constant 0 : index
    %swap3A_14 = arith.constant 0 : index
    %swap3A_15 = vector.load %arg5[%swap3A_13, %swap3A_14] : memref<1000x128xf32, #tpu.memory_space<vmem>>, vector<1000x128xf32>
    tpu.vector_store %arg5[%swap3A_13, %swap3A_14], %dot_general3A_12 {strides = array<i32>} : memref<1000x128xf32, #tpu.memory_space<vmem>>, vector<1000x128xf32>,
    return
  }
  func.func @transform_0(%arg0: i32) -> (i32, i32) {
    %c0_i32 = arith.constant 0 : i32
    %c0_i32_0 = arith.constant 0 : i32
    return %arg0, %c0_i32 : i32, i32
  }
  func.func @transform_1(%arg0: i32) -> (i32, i32) {
    %c0_i32 = arith.constant 0 : i32
    %c0_i32_0 = arith.constant 0 : i32
    %c0_i32_1 = arith.constant 0 : i32
    return %c0_i32, %c0_i32_0 : i32, i32
  }
  func.func @transform_2(%arg0: i32) -> (i32, i32) {
    %c0_i32 = arith.constant 0 : i32
    %c0_i32_0 = arith.constant 0 : i32
    %c0_i32_1 = arith.constant 0 : i32
    return %c0_i32, %c0_i32_0 : i32, i32
  }
  func.func @transform_3(%arg0: i32) -> (i32, i32) {
    %c0_i32 = arith.constant 0 : i32
    %c0_i32_0 = arith.constant 0 : i32
    return %arg0, %c0_i32 : i32, i32
  }
  func.func @transform_4(%arg0: i32) -> (i32, i32) {
    %c0_i32 = arith.constant 0 : i32
    %c0_i32_0 = arith.constant 0 : i32
    return %arg0, %c0_i32 : i32, i32
  }
}

module attributes {stable_mosaic.version = 14 : i64} {
  func.func @_tc_z_body(%arg0: i32, %arg1: memref<2000x16xf32, #tpu.memory_space<vmem>>, %arg2: memref<2000x16xf32, #tpu.memory_space<vmem>>, %arg3: memref<16x128xf32, #tpu.memory_space<vmem>>, %arg4: memref<16x128xf32, #tpu.memory_space<vmem>>, %arg5: memref<2000x128xf32, #tpu.memory_space<vmem>>, %arg6: memref<2000x128xf32, #tpu.memory_space<vmem>>) attributes {dimension_semantics = [#tpu.dimension_semantics<arbitrary>], iteration_bounds = array<i64: 80>, scalar_prefetch = 0 : i64, scratch_operands = 0 : i64, tpu.core_type = #tpu.core_type<tc>, window_params = [{transform_indices = @transform_0, window_bounds = array<i64: 2000, 16>}, {transform_indices = @transform_1, window_bounds = array<i64: 2000, 16>}, {pipeline_mode = #tpu.pipeline_mode<synchronous>, transform_indices = @transform_2, window_bounds = array<i64: 16, 128>}, {pipeline_mode = #tpu.pipeline_mode<synchronous>, transform_indices = @transform_3, window_bounds = array<i64: 16, 128>}, {transform_indices = @transform_4, window_bounds = array<i64: 2000, 128>}, {transform_indices = @transform_5, window_bounds = array<i64: 2000, 128>}]} {
    %get3A = arith.constant 0 : index
    %get3A_0 = arith.constant 0 : index
    %get3A_1 = vector.load %arg1[%get3A, %get3A_0] : memref<2000x16xf32, #tpu.memory_space<vmem>>, vector<2000x16xf32>
    %get3A_2 = arith.constant 0 : index
    %get3A_3 = arith.constant 0 : index
    %get3A_4 = vector.load %arg3[%get3A_2, %get3A_3] : memref<16x128xf32, #tpu.memory_space<vmem>>, vector<16x128xf32>
    %dot_general3A = arith.constant dense<0.000000e+00> : vector<2000x128xf32>
    %dot_general3A_5 = tpu.matmul %get3A_1, %get3A_4, %dot_general3A {dimension_numbers = #tpu.dot_dimension_numbers<[1], [0], [0], [1], [0, 0, 1, 1], [], []>, transpose_lhs_hint = false} : vector<2000x16xf32>, vector<16x128xf32>, vector<2000x128xf32> -> vector<2000x128xf32>
    %swap3A = arith.constant 0 : index
    %swap3A_6 = arith.constant 0 : index
    %swap3A_7 = vector.load %arg5[%swap3A, %swap3A_6] : memref<2000x128xf32, #tpu.memory_space<vmem>>, vector<2000x128xf32>
    tpu.vector_store %arg5[%swap3A, %swap3A_6], %dot_general3A_5 {strides = array<i32>} : memref<2000x128xf32, #tpu.memory_space<vmem>>, vector<2000x128xf32>,
    %get3A_8 = arith.constant 0 : index
    %get3A_9 = arith.constant 0 : index
    %get3A_10 = vector.load %arg2[%get3A_8, %get3A_9] : memref<2000x16xf32, #tpu.memory_space<vmem>>, vector<2000x16xf32>
    %get3A_11 = arith.constant 0 : index
    %get3A_12 = arith.constant 0 : index
    %get3A_13 = vector.load %arg4[%get3A_11, %get3A_12] : memref<16x128xf32, #tpu.memory_space<vmem>>, vector<16x128xf32>
    %dot_general3A_14 = arith.constant dense<0.000000e+00> : vector<2000x128xf32>
    %dot_general3A_15 = tpu.matmul %get3A_10, %get3A_13, %dot_general3A_14 {dimension_numbers = #tpu.dot_dimension_numbers<[1], [0], [0], [1], [0, 0, 1, 1], [], []>, transpose_lhs_hint = false} : vector<2000x16xf32>, vector<16x128xf32>, vector<2000x128xf32> -> vector<2000x128xf32>
    %swap3A_16 = arith.constant 0 : index
    %swap3A_17 = arith.constant 0 : index
    %swap3A_18 = vector.load %arg6[%swap3A_16, %swap3A_17] : memref<2000x128xf32, #tpu.memory_space<vmem>>, vector<2000x128xf32>
    tpu.vector_store %arg6[%swap3A_16, %swap3A_17], %dot_general3A_15 {strides = array<i32>} : memref<2000x128xf32, #tpu.memory_space<vmem>>, vector<2000x128xf32>,
    return
  }
  func.func @transform_0(%arg0: i32) -> (i32, i32) {
    %c0_i32 = arith.constant 0 : i32
    %c0_i32_0 = arith.constant 0 : i32
    return %arg0, %c0_i32 : i32, i32
  }
  func.func @transform_1(%arg0: i32) -> (i32, i32) {
    %c0_i32 = arith.constant 0 : i32
    %c0_i32_0 = arith.constant 0 : i32
    return %arg0, %c0_i32 : i32, i32
  }
  func.func @transform_2(%arg0: i32) -> (i32, i32) {
    %c0_i32 = arith.constant 0 : i32
    %c0_i32_0 = arith.constant 0 : i32
    %c0_i32_1 = arith.constant 0 : i32
    return %c0_i32, %c0_i32_0 : i32, i32
  }
  func.func @transform_3(%arg0: i32) -> (i32, i32) {
    %c0_i32 = arith.constant 0 : i32
    %c0_i32_0 = arith.constant 0 : i32
    %c0_i32_1 = arith.constant 0 : i32
    return %c0_i32, %c0_i32_0 : i32, i32
  }
  func.func @transform_4(%arg0: i32) -> (i32, i32) {
    %c0_i32 = arith.constant 0 : i32
    %c0_i32_0 = arith.constant 0 : i32
    return %arg0, %c0_i32 : i32, i32
  }
  func.func @transform_5(%arg0: i32) -> (i32, i32) {
    %c0_i32 = arith.constant 0 : i32
    %c0_i32_0 = arith.constant 0 : i32
    return %arg0, %c0_i32 : i32, i32
  }
}

module attributes {stable_mosaic.version = 14 : i64} {
  func.func @_tc_post_body(%arg0: i32, %arg1: memref<1000x128xf32, #tpu.memory_space<vmem>>, %arg2: memref<2x1000x128xf32, #tpu.memory_space<vmem>>, %arg3: memref<128x128xf32, #tpu.memory_space<vmem>>, %arg4: memref<1x128xf32, #tpu.memory_space<vmem>>, %arg5: memref<1000x128xf32, #tpu.memory_space<vmem>>) attributes {dimension_semantics = [#tpu.dimension_semantics<arbitrary>], iteration_bounds = array<i64: 10>, scalar_prefetch = 0 : i64, scratch_operands = 0 : i64, tpu.core_type = #tpu.core_type<tc>, window_params = [{transform_indices = @transform_0, window_bounds = array<i64: 1000, 128>}, {transform_indices = @transform_1, window_bounds = array<i64: 2, 1000, 128>}, {pipeline_mode = #tpu.pipeline_mode<synchronous>, transform_indices = @transform_2, window_bounds = array<i64: 128, 128>}, {pipeline_mode = #tpu.pipeline_mode<synchronous>, transform_indices = @transform_3, window_bounds = array<i64: 1, 128>}, {transform_indices = @transform_4, window_bounds = array<i64: 1000, 128>}]} {
    %get3A = arith.constant 0 : index
    %get3A_0 = arith.constant 0 : index
    %get3A_1 = vector.load %arg1[%get3A, %get3A_0] : memref<1000x128xf32, #tpu.memory_space<vmem>>, vector<1000x128xf32>
    %get3A_2 = arith.constant 0 : index
    %get3A_3 = arith.constant 0 : index
    %get3A_4 = vector.load %arg3[%get3A_2, %get3A_3] : memref<128x128xf32, #tpu.memory_space<vmem>>, vector<128x128xf32>
    %dot_general3A = arith.constant dense<0.000000e+00> : vector<1000x128xf32>
    %dot_general3A_5 = tpu.matmul %get3A_1, %get3A_4, %dot_general3A {dimension_numbers = #tpu.dot_dimension_numbers<[1], [0], [0], [1], [0, 0, 1, 1], [], []>, transpose_lhs_hint = false} : vector<1000x128xf32>, vector<128x128xf32>, vector<1000x128xf32> -> vector<1000x128xf32>
    %get3A_6 = arith.constant 0 : index
    %get3A_7 = arith.constant 0 : index
    %get3A_8 = arith.constant 0 : index
    %get3A_9 = vector.load %arg2[%get3A_6, %get3A_7, %get3A_8] : memref<2x1000x128xf32, #tpu.memory_space<vmem>>, vector<1x1000x128xf32>
    %get3A_10 = vector.shape_cast %get3A_9 : vector<1x1000x128xf32> to vector<1000x128xf32>
    %get3A_11 = arith.constant 1 : index
    %get3A_12 = arith.constant 0 : index
    %get3A_13 = arith.constant 0 : index
    %get3A_14 = vector.load %arg2[%get3A_11, %get3A_12, %get3A_13] : memref<2x1000x128xf32, #tpu.memory_space<vmem>>, vector<1x1000x128xf32>
    %get3A_15 = vector.shape_cast %get3A_14 : vector<1x1000x128xf32> to vector<1000x128xf32>
    %add3A = arith.addf %get3A_10, %get3A_15 : vector<1000x128xf32>
    %get3A_16 = arith.constant 0 : index
    %get3A_17 = arith.constant 0 : index
    %get3A_18 = vector.load %arg4[%get3A_16, %get3A_17] : memref<1x128xf32, #tpu.memory_space<vmem>>, vector<1x128xf32>
    %add3A_19 = vector.broadcast %get3A_18 : vector<1x128xf32> to vector<1000x128xf32>
    %add3A_20 = arith.addf %add3A, %add3A_19 : vector<1000x128xf32>
    %add3A_21 = arith.addf %dot_general3A_5, %add3A_20 : vector<1000x128xf32>
    %max3A = arith.constant 0.000000e+00 : f32
    %max3A_22 = vector.broadcast %max3A : f32 to vector<1000x128xf32>
    %max3A_23 = arith.maximumf %add3A_21, %max3A_22 : vector<1000x128xf32>
    %swap3A = arith.constant 0 : index
    %swap3A_24 = arith.constant 0 : index
    %swap3A_25 = vector.load %arg5[%swap3A, %swap3A_24] : memref<1000x128xf32, #tpu.memory_space<vmem>>, vector<1000x128xf32>
    tpu.vector_store %arg5[%swap3A, %swap3A_24], %max3A_23 {strides = array<i32>} : memref<1000x128xf32, #tpu.memory_space<vmem>>, vector<1000x128xf32>,
    return
  }
  func.func @transform_0(%arg0: i32) -> (i32, i32) {
    %c0_i32 = arith.constant 0 : i32
    %c0_i32_0 = arith.constant 0 : i32
    return %arg0, %c0_i32 : i32, i32
  }
  func.func @transform_1(%arg0: i32) -> (i32, i32, i32) {
    %c0_i32 = arith.constant 0 : i32
    %c0_i32_0 = arith.constant 0 : i32
    %c0_i32_1 = arith.constant 0 : i32
    return %c0_i32, %arg0, %c0_i32_0 : i32, i32, i32
  }
  func.func @transform_2(%arg0: i32) -> (i32, i32) {
    %c0_i32 = arith.constant 0 : i32
    %c0_i32_0 = arith.constant 0 : i32
    %c0_i32_1 = arith.constant 0 : i32
    return %c0_i32, %c0_i32_0 : i32, i32
  }
  func.func @transform_3(%arg0: i32) -> (i32, i32) {
    %c0_i32 = arith.constant 0 : i32
    %c0_i32_0 = arith.constant 0 : i32
    %c0_i32_1 = arith.constant 0 : i32
    return %c0_i32, %c0_i32_0 : i32, i32
  }
  func.func @transform_4(%arg0: i32) -> (i32, i32) {
    %c0_i32 = arith.constant 0 : i32
    %c0_i32_0 = arith.constant 0 : i32
    return %arg0, %c0_i32 : i32, i32
  }
}

</mosaic_0001>

<sc_bundles>
// kernel: kernel.6.cloned.1.call-start
scs
__scs_entry_jumppad:
0x0: {  	(pc) =	sbr.rel $0x88, $3  }
0x1: {  	(tag) =	ssettag $0x0;
	lr =	simm.s32 $0x1  }
0x2: {  	[smem:$0x3F96] =	sst lr;
	_ =	strace $0xD0000000  }
0x3: {  	_ = 	snop  }
0x4: {  	_ = 	snop  }
0x5: {  	_ = 	snop  }
0x6: {  	_ = 	snop  }
0x7: {  	_ = 	snop  }
__scs_overlays_trampoline_lowered:
0x8: {  	[smem:$0x3FA5] =	sst s0  }
0x9: {  	[smem:$0x3FA6] =	sst s1  }
0xa: {  	[smem:$0x3FA7] =	sst s2  }
0xb: {  	[smem:$0x3FA8] =	sst s3  }
0xc: {  	[smem:$0x3FA9] =	sst s4  }
0xd: {  	[smem:$0x3FAA] =	sst s5  }
0xe: {  	[smem:$0x3FAB] =	sst s6  }
0xf: {  	[smem:$0x3FAC] =	sst s7  }
0x10: {  	[smem:$0x3FAD] =	sst s8  }
0x11: {  	[smem:$0x3FAE] =	sst s9;
	s0 =	simm.s32 @!p0 $0x0  }
0x12: {  	s1 =	sld [smem:$0x3F94];
	s0 =	simm.s32 @p0 $0x1  }
0x13: {  	[smem:$0x3FAF] =	sst s0;
	s0 =	simm.s32 @!p1 $0x0  }
0x14: {  	s2 =	sld [smem:$0x3F93];
	s0 =	simm.s32 @p1 $0x1  }
0x15: {  	[smem:$0x3FB0] =	sst s0;
	s0 =	simm.s32 @!p2 $0x0  }
0x16: {  	s3 =	sld [smem:$0x3FDB];
	s0 =	simm.s32 @p2 $0x1  }
0x17: {  	s4 =	simm.s32 $0x1BF5;
	[smem:$0x3FB2] =	sst s0  }
0x18: {  	s0 =	sld [smem:$0x3F95];
	_ =	swait.ge [sflag:s4], $0x0  }
0x19: {  	s7 =	sld [smem:$0x3F96]  }
0x1a: {  	s8 =	sadd.s32 $0xFFFFE003, lr  }
0x1b: {  	s9 =	sadd.s32 $0xFFFFFEF7, lr;
	s5 =	simm.s32 $0xFFFFFFFF;
	p2 =	slt.u32 s8, $0xFFFFF086  }
0x1c: {  	p1 =	slt.u32 s9, $0xF7A;
	s5 =	simm.s32 @!p2 $0x0  }
0x1d: {  	s5 =	simm.s32 @p1 $0x1;
	p0 =	seq.s32 s7, s2  }
0x1e: {  	s7 =	smul.u32 @!p0 $0xF7A, s2;
	p2 =	seq.s32 @!p0 s5, $0x0  }
0x1f: {  	s9 =	smul.u32 $0xF7A, s1;
	s8 =	simm.s32 @!p0 $0x1BF5;
	p2 =	por !p2, p0  }
0x20: {  	[sflag:s8] =	ssyncset.s32 @!p0 $0xFFFFF086;
	s6 =	sadd.s32 @!p0 s3, s7;
	s7 =	simm.s32 @!p0 $0x108  }
0x21: {  	s3 =	sadd.s32 s3, s9;
	s6 =	sadd.s32 @!p0 $0x88, s6;
	s7 =	simm.s32 @p2 $0x1082  }
0x22: {  	[simem:s7], [sflag:s8] =	dma.local @!p0 [hbm:s6], $0xF7A  }
0x23: {  	s9 =	sor.u32 $0xD0000000, s2;
	s6 =	simm.s32 $0x108;
	_ =	swait.ge @!p0 [sflag:s8], $0x0  }
0x24: {  	s3 =	sadd.s32 $0x88, s3;
	s6 =	simm.s32 @!p1 $0x1082;
	[sflag:s4] =	ssyncset.s32 $0xFFFFF086  }
0x25: {  	[simem:s6], [sflag:s4] =	dma.local [hbm:s3], $0xF7A  }
0x26: {  	[smem:$0x3F96] =	sst s1;
	(tag) =	ssettag s2;
	_ =	strace s9  }
0x27: {  	s1 =	sld [smem:$0x3FA6]  }
0x28: {  	s2 =	sld [smem:$0x3FA7]  }
0x29: {  	s4 =	sld [smem:$0x3FA9]  }
0x2a: {  	p0 =	seq.s32 s5, $0x0;
	s5 =	sld [smem:$0x3FAA]  }
0x2b: {  	s6 =	sld [smem:$0x3FAB]  }
0x2c: {  	s7 =	sld [smem:$0x3FAC]  }
0x2d: {  	s3 =	simm.s32 $0x108;
	s8 =	sld [smem:$0x3FAD]  }
0x2e: {  	s3 =	simm.s32 @!p0 $0x1082;
	s9 =	sld [smem:$0x3FAE]  }
0x2f: {  	lr =	sadd.s32 s0, s3;
	s0 =	sld [smem:$0x3FA5]  }
0x30: {  	s3 =	sld [smem:$0x3FA8]  }
0x31: {  	[smem:$0x3FB1] =	sst s10  }
0x32: {  	s10 =	sld [smem:$0x3FAF];
	_ =	sdelay $0x3  }
0x33: {  	p0 =	seq.s32 s10, $0x1;
	s10 =	sld [smem:$0x3FB1];
	_ =	sdelay $0x3  }
0x34: {  	[smem:$0x3FB1] =	sst s10  }
0x35: {  	s10 =	sld [smem:$0x3FB0];
	_ =	sdelay $0x3  }
0x36: {  	p1 =	seq.s32 s10, $0x1;
	s10 =	sld [smem:$0x3FB1];
	_ =	sdelay $0x3  }
0x37: {  	[smem:$0x3FB1] =	sst s10  }
0x38: {  	s10 =	sld [smem:$0x3FB2]  }
0x39: {  	_ = 	snop;
	(pc) =	sbr.ind lr, $3  }
0x3a: {  	_ = 	snop  }
0x3b: {  	_ = 	snop  }
0x3c: {  	p2 =	seq.s32 s10, $0x1;
	s10 =	sld [smem:$0x3FB1]  }
0x3d: {  	_ =	shalt  }
0x3e: {  	_ =	shalt  }
0x3f: {  	_ =	shalt  }
0x40: {  	_ =	shalt  }
0x41: {  	_ =	shalt  }
0x42: {  	_ =	shalt  }
0x43: {  	_ =	shalt  }
0x44: {  	_ =	shalt  }
0x45: {  	_ =	shalt  }
0x46: {  	_ =	shalt  }
0x47: {  	_ =	shalt  }
0x48: {  	_ =	shalt  }
0x49: {  	_ =	shalt  }
0x4a: {  	_ =	shalt  }
0x4b: {  	_ =	shalt  }
0x4c: {  	_ =	shalt  }
0x4d: {  	_ =	shalt  }
0x4e: {  	_ =	shalt  }
0x4f: {  	_ =	shalt  }
0x50: {  	_ =	shalt  }
0x51: {  	_ =	shalt  }
0x52: {  	_ =	shalt  }
0x53: {  	_ =	shalt  }
0x54: {  	_ =	shalt  }
0x55: {  	_ =	shalt  }
0x56: {  	_ =	shalt  }
0x57: {  	_ =	shalt  }
0x58: {  	_ =	shalt  }
0x59: {  	_ =	shalt  }
0x5a: {  	_ =	shalt  }
0x5b: {  	_ =	shalt  }
0x5c: {  	_ =	shalt  }
0x5d: {  	_ =	shalt  }
0x5e: {  	_ =	shalt  }
0x5f: {  	_ =	shalt  }
0x60: {  	_ =	shalt  }
0x61: {  	_ =	shalt  }
0x62: {  	_ =	shalt  }
0x63: {  	_ =	shalt  }
0x64: {  	_ =	shalt  }
0x65: {  	_ =	shalt  }
0x66: {  	_ =	shalt  }
0x67: {  	_ =	shalt  }
0x68: {  	_ =	shalt  }
0x69: {  	_ =	shalt  }
0x6a: {  	_ =	shalt  }
0x6b: {  	_ =	shalt  }
0x6c: {  	_ =	shalt  }
0x6d: {  	_ =	shalt  }
0x6e: {  	_ =	shalt  }
0x6f: {  	_ =	shalt  }
0x70: {  	_ =	shalt  }
0x71: {  	_ =	shalt  }
0x72: {  	_ =	shalt  }
0x73: {  	_ =	shalt  }
0x74: {  	_ =	shalt  }
0x75: {  	_ =	shalt  }
0x76: {  	_ =	shalt  }
0x77: {  	_ =	shalt  }
0x78: {  	_ =	shalt  }
0x79: {  	_ =	shalt  }
0x7a: {  	_ =	shalt  }
0x7b: {  	_ =	shalt  }
0x7c: {  	_ =	shalt  }
0x7d: {  	_ =	shalt  }
0x7e: {  	_ =	shalt  }
0x7f: {  	_ =	shalt  }
0x80: {  	_ =	shalt  }
0x81: {  	_ =	shalt  }
0x82: {  	_ =	shalt  }
0x83: {  	_ =	shalt  }
0x84: {  	_ =	shalt  }
0x85: {  	_ =	shalt  }
0x86: {  	_ =	shalt  }
0x87: {  	_ =	shalt  }
.Lfunc_end0:
.L_simem_size_0:
called_computation_lowered:
.L_overlay_start_0:
0x88: {  	s2 =	sld [smem:$0x3FD9]  }
0x89: {  	s3 =	sld [smem:$0x3FFE];
	_ =	sdelay $0x1  }
0x8a: {  	s1 =	srdreg.scid  }
0x8b: {  	s0 =	sand.u32 $0x1, s1  }
0x8c: {  	s17 =	sshll.u32 s0, $0xA;
	s2 =	sadd.s32 s3, s2  }
0x8d: {  	s2 =	sadd.s32 s2, s17  }
0x8e: {  	[smem:$0x3FBD] =	sst s2  }
0x8f: {  	_ = 	snop  }
0x90: {  	s2 =	sld [smem:$0x3FC8]  }
0x91: {  	s18 =	sld [smem:$0x3FC7]  }
0x92: {  	s4 =	sld [smem:$0x3FC6]  }
0x93: {  	s5 =	sld [smem:$0x3FC5]  }
0x94: {  	s6 =	sld [smem:$0x3FD0];
	(tm) =	ssettm $0x1  }
0x95: {  	s7 =	sld [smem:$0x3FFB];
	_ =	sdelay $0x3  }
0x96: {  	_ =	strace s7  }
0x97: {  	s7 =	sld [smem:$0x3FFC];
	_ =	sdelay $0x3  }
0x98: {  	_ =	strace s7  }
0x99: {  	s7 =	sld [smem:$0x3FFD];
	_ =	sdelay $0x3  }
0x9a: {  	_ =	strace s7  }
0x9b: {  	_ =	strace $0x8FFFFFFF  }
0x9c: {  	s19 =	sld [smem:$0x3FDB];
	_ =	sdelay $0x1  }
0x9d: {  	s8 =	simm.s32 $_scs_section_size  }
0x9e: {  	s9 =	simm.s32 $_size__tile_overlayer_lowered;
	s10 =	simm.s32 $_tile_overlayer_lowered  }
0x9f: {  	s22 =	simm.s32 $0x1BFF;
	s21 =	sshll.u32 s10, $0x1;
	s7 =	sadd.s32 s8, s19  }
0xa0: {  	s11 =	simm.s32 $0x0;
	s20 =	sshll.u32 s9, $0x1;
	s9 =	sadd.s32 s21, s7  }
0xa1: {  	[timem:s11], [sflag:s22] =	dma.local [hbm:s9], s20  }
0xa2: {  	_ =	swait.ge [sflag:s22], s20  }
0xa3: {  	s8 =	ssub.s32 $0x0, s20;
	[sflag:s22] =	ssyncset.done $0x0  }
0xa4: {  	[sflag:s22] =	ssyncadd.s32 s8;
	_ =	sdelay $0x1  }
0xa5: {  	s23 =	simm.s32 $0x1B8B  }
0xa6: {  	_ =	swait.ge [sflag:s23], $0x1  }
0xa7: {  	[sflag:s23] =	ssyncset.done $0x0  }
0xa8: {  	s25 =	simm.s32 $0x1B8E;
	s24 =	sld [smem:$0x3FFE];
	[sflag:s23] =	ssyncadd.s32 $0xFFFFFFFF  }
0xa9: {  	s26 =	simm.s32 $execute0_lowered;
	[smem:$0x3FD2] =	sst s25  }
0xaa: {  	s9 =	sshll.u32 s26, $0x1;
	_ =	strace $0x80000046;
	[dreg:$0x1] =	wrdreg $0xFFFFFFFF  }
0xab: {  	s28 =	simm.s32 $_size_execute0_lowered;
	s7 =	sadd.s32 s7, s9;
	[dreg:$0x0] =	wrdreg $0x0  }
0xac: {  	s9 =	sshll.u32 s28, $0x1;
	[dreg:$0x2] =	wrdreg s7  }
0xad: {  	[dreg:$0x3] =	wrdreg s9  }
0xae: {  	[dreg:$0x4] =	wrdreg $0xC0  }
0xaf: {  	_ =	task [dreg:s11], $0x5FFFF  }
0xb0: {  	[dreg:$0x1] =	wrdreg $0xFFFFFFFF  }
0xb1: {  	[dreg:$0x0] =	wrdreg $0x60  }
0xb2: {  	[dreg:$0x2] =	wrdreg s6  }
0xb3: {  	[dreg:$0x3] =	wrdreg s24  }
0xb4: {  	[dreg:$0x4] =	wrdreg s2  }
0xb5: {  	[dreg:$0x5] =	wrdreg s18  }
0xb6: {  	[dreg:$0x6] =	wrdreg s4  }
0xb7: {  	[dreg:$0x7] =	wrdreg s5  }
0xb8: {  	[dreg:$0x8] =	wrdreg $0xA2000  }
0xb9: {  	[dreg:$0x9] =	wrdreg $0x9  }
0xba: {  	_ =	task.clear_ibuf [dreg:s11], $0xAFFFF;
	_ =	strace $0x90000046  }
0xbb: {  	s29 =	simm.s32 $0x9;
	_ =	strace $0x80000048  }
0xbc: {  	_ =	swait.ge [sflag:s29], $0x1  }
0xbd: {  	[sflag:s29] =	ssyncadd.s32 $0xFFFFFFFF  }
0xbe: {  	_ =	strace $0x90000048  }
0xbf: {  	_ =	sfence  }
0xc0: {  	s30 =	sld [smem:$0x0];
	_ =	sdelay $0x2  }
0xc1: {  	s31 =	sshll.u32 s1, $0xD;
	s1 =	sshrl.u32 s1, $0x2  }
0xc2: {  	s3 =	sand.u32 $0x4000, s31;
	s1 =	sadd.s32 s1, s30  }
0xc3: {  	s0 =	sor.u32 s3, s0;
	s1 =	sshll.u32 s1, $0x11  }
0xc4: {  	s0 =	sor.u32 s1, s0  }
0xc5: {  	s0 =	sadd.s32 $0x8F2B, s0  }
0xc6: {  	[sflag:s0] =	ssyncadd.remote.s32 $0x1  }
0xc7: {  	_ =	sfence.sel $0xFFFF  }
0xc8: {  	[dreg:$0x0] =	wrdreg $0xFFFFFFFF;
	(pc) =	sbr.abs _section_cstart, $3  }
0xc9: {  	[dreg:$0x1] =	wrdreg $0xFFFFFFFF  }
0xca: {  	_ =	task.clear_ibuf [dreg:s11], $0x2FFFF;
	_ =	strace $0x9FFFFFFF  }
0xcb: {  	(tm) =	ssettm $0x7FFFFFFF  }
tec
execute0_lowered:
.L_overlay_start_1:
0x0: {  	(tag) =	ssettag $0x1  }
0x1: {  	s0 =	rddreg [dreg:$0x1]  }
0x2: {  	s2 =	srdreg.scid;
	s19 =	stileid.u32  }
0x3: {  	s1 =	simm.s32 $0x0;
	s10 =	sand.u32 $0x1, s2;
	s11 =	smul.u32 $0x14000, s19  }
0x4: {  	[smem:$0x7FF] =	sst s1;
	s12 =	sadd.s32 $0x50AA00, s0;
	s15 =	smul.u32 $0x2710, s19  }
0x5: {  	s13 =	sadd.s32 $0x77BA00, s0;
	s14 =	sadd.s32 $0x1800, s0;
	s16 =	smul.u32 $0x27100, s19  }
0x6: {  	s2 =	ssub.s32 $0x2, s10;
	p0 =	seq.s32 s10, $0x1;
	s10 =	smul.u32 $0x140000, s10  }
0x7: {  	s3 =	sshrl.u32 s2, $0x1;
	s4 =	sadd.s32 $0x5000, s11;
	s5 =	sadd.s32 $0x7800, s11  }
0x8: {  	s6 =	sadd.s32 $0xA000, s11;
	s7 =	sadd.s32 $0xC800, s11;
	s8 =	sadd.s32 $0xF000, s11  }
0x9: {  	s9 =	sadd.s32 $0x11800, s11;
	s17 =	sadd.s32 $0x50, s15;
	s20 =	sadd.s32 s12, s16  }
0xa: {  	s16 =	sadd.s32 s13, s16;
	s2 =	ssub.s32 s2, s3;
	s3 =	sor.u32 $0x2800, s11  }
0xb: {  	s18 =	sshll.u32 s17, $0x4;
	s11 =	sadd.s32 s11, s10;
	s23 =	sadd.s32 s10, s5  }
0xc: {  	s24 =	sadd.s32 s10, s6;
	s25 =	sadd.s32 s10, s7;
	s12 =	sadd.s32 s12, s18  }
0xd: {  	s26 =	sadd.s32 s13, s18;
	s13 =	sadd.s32 s10, s3;
	[dreg:$0x9] =	wrdreg s12  }
0xe: {  	s11 =	sshrl.u32 s11, $0x3;
	s18 =	sadd.s32 s10, s4;
	[dreg:$0xb] =	wrdreg s26  }
0xf: {  	s12 =	sshrl.u32 s13, $0x3;
	s11 =	sadd.s32 s14, s11;
	s22 =	sshrl.u32 s18, $0x3  }
0x10: {  	s13 =	sadd.s32 s10, s8;
	s18 =	sshrl.u32 s15, $0x3;
	s15 =	rddreg [dreg:$0x5]  }
0x11: {  	s10 =	sadd.s32 s10, s9;
	[dreg:$0xc] =	wrdreg s11;
	s21 =	sadd.s32 s14, s12  }
0x12: {  	s11 =	sadd.s32 s14, s22;
	s12 =	sshrl.u32 s24, $0x3;
	[dreg:$0xd] =	wrdreg s21  }
0x13: {  	s10 =	sshrl.u32 s10, $0x3;
	[dreg:$0xe] =	wrdreg s11;
	s26 =	sadd.s32 s14, s12  }
0x14: {  	s10 =	sadd.s32 s14, s10;
	[dreg:$0x10] =	wrdreg s26  }
0x15: {  	s11 =	sshrl.u32 s23, $0x3;
	[dreg:$0x13] =	wrdreg s10  }
0x16: {  	s11 =	sadd.s32 s14, s11;
	s10 =	rddreg [dreg:$0x3]  }
0x17: {  	s12 =	sshrl.u32 s25, $0x3;
	[dreg:$0xf] =	wrdreg s11  }
0x18: {  	s11 =	sadd.s32 s14, s12;
	s12 =	rddreg [dreg:$0x2]  }
0x19: {  	s22 =	sadd.s32 s10, s18;
	[dreg:$0x11] =	wrdreg s11  }
0x1a: {  	s11 =	sshrl.u32 s13, $0x3;
	[dreg:$0x15] =	wrdreg s22  }
0x1b: {  	s21 =	sadd.s32 s12, s18;
	s11 =	sadd.s32 s14, s11;
	s14 =	rddreg [dreg:$0x4]  }
0x1c: {  	[dreg:$0x14] =	wrdreg s21  }
0x1d: {  	s13 =	sshrl.u32 s17, $0x3;
	s21 =	rddreg [dreg:$0x0]  }
0x1e: {  	s25 =	sadd.s32 s12, s13;
	[dreg:$0x12] =	wrdreg s11  }
0x1f: {  	s26 =	sadd.s32 s10, s13;
	[dreg:$0x18] =	wrdreg s25  }
0x20: {  	[dreg:$0x19] =	wrdreg s26  }
0x21: {  	s31 =	simm.s32 $0x2A00;
	s23 =	sadd.s32 s14, s18;
	s26 =	rddreg [dreg:$0x6]  }
0x22: {  	s30 =	sadd.s32 $0x4E3800, s0;
	s11 =	sadd.s32 s15, s18;
	[dreg:$0x16] =	wrdreg s23  }
0x23: {  	s24 =	smul.u32 $0x4E2, s19;
	s18 =	sadd.s32 s14, s13;
	[dreg:$0x17] =	wrdreg s11  }
0x24: {  	s0 =	simm.s32 $0xB;
	s13 =	sadd.s32 s15, s13;
	[dreg:$0x1a] =	wrdreg s18  }
0x25: {  	s22 =	sadd.s32 s24, s10;
	[dreg:$0x1b] =	wrdreg s13;
	s10 =	sadd.s32 s4, s26  }
0x26: {  	s11 =	sadd.s32 s5, s26;
	_ =	strace $0x80000047;
	[dreg:$0x1e] =	wrdreg s10  }
0x27: {  	s28 =	sadd.s32 s24, s15;
	s13 =	sadd.s32 s6, s26;
	[dreg:$0x1f] =	wrdreg s11  }
0x28: {  	s29 =	sadd.s32 s24, s14;
	s14 =	sadd.s32 s7, s26;
	[smem:$0x7F7] =	sst s13  }
0x29: {  	s25 =	sadd.s32 s24, s12;
	s15 =	sadd.s32 s8, s26;
	[smem:$0x7F8] =	sst s14  }
0x2a: {  	s12 =	smov.u32 s21;
	s17 =	sadd.s32 s9, s26;
	[smem:$0x7F9] =	sst s15  }
0x2b: {  	s21 =	sadd.s32 $0xF00, s20;
	s18 =	smax.u32 s2, $0x1;
	[smem:$0x7FA] =	sst s17  }
0x2c: {  	s23 =	smul.u32 $0x50000, s19;
	s4 =	simm.s32 $0x200;
	[smem:$0x7FB] =	sst s18  }
0x2d: {  	s6 =	simm.s32 $0x1;
	s7 =	simm.s32 $0x3;
	[dreg:$0x8] =	wrdreg s20  }
0x2e: {  	s8 =	simm.s32 $0x5;
	s9 =	simm.s32 $0x50;
	[smem:$0x7FC] =	sst s21  }
0x2f: {  	s2 =	simm.s32 $0x4;
	s5 =	simm.s32 $0xA;
	[dreg:$0xa] =	wrdreg s16  }
0x30: {  	s20 =	simm.s32 $0x100;
	s21 =	simm.s32 $0x5200;
	s11 =	simm.s32 $0x180  }
.Ltmp0:
0x31: {  	s13 =	simm.s32 $0x7;
	s17 =	simm.s32 $0x2;
	(pc) =	sbr.rel .LBB2_1-.Ltmp0, $4  }
0x32: {  	s18 =	simm.s32 $0x6;
	s24 =	sshrl.u32 s23, $0x2;
	s23 =	sadd.s32 $0xF00, s16  }
0x33: {  	s14 =	simm.s32 $0xC;
	s19 =	sadd.s32 s24, s26;
	[smem:$0x7FD] =	sst s23  }
0x34: {  	s16 =	simm.s32 $0x0;
	s24 =	sadd.s32 s3, s26;
	[dreg:$0x1c] =	wrdreg s19  }
0x35: {  	v0 =	vimm.f32 $0.0e+00;
	s23 =	simm.s32 $0x9;
	s3 =	simm.s32 $0x8;
	[dreg:$0x1d] =	wrdreg s24  }
.LBB2_6:
0x36: {  	[spmem:s26] =	stream.indirect.scatter.add.f32 [tilespmem:s21], [sflag:$0xB], $0x80, s20, s9, $0xb8;
	[tilespmem:$0x1E200] =	vst v63  }
0x37: {  	s19 =	rddreg [dreg:$0x1c]  }
0x38: {  	s16 =	sld [smem:$0x7F6]  }
.LBB2_10:
0x39: {  	_ =	swait.ge [sflag:s23], $0x2800  }
0x3a: {  	[sflag:s23] =	ssyncset.done $0x0  }
0x3b: {  	[sflag:s23] =	ssyncadd.s32 $0xFFFFD800  }
0x3c: {  	_ =	swait.ge [sflag:s0], $0x2800  }
0x3d: {  	[sflag:s0] =	ssyncset.done $0x0  }
0x3e: {  	[sflag:s0] =	ssyncadd.s32 $0xFFFFD800  }
0x3f: {  	s15 =	simm.s32 $0xD;
	[bflag:$0x0] =	sbarrier.arrive $0xFFFF  }
0x40: {  	[tilespmem:s4], [sflag:$0xD] =	stream.linear.gather [spmem:s19], $0x2800, $0x38;
	[tilespmem:$0x1E200] =	vst v63  }
0x41: {  	_ =	swait.ge [sflag:s15], $0x2800  }
0x42: {  	[sflag:s15] =	ssyncset.done $0x0  }
0x43: {  	s10 =	rddreg [dreg:$0xc];
	[sflag:s15] =	ssyncadd.s32 $0xFFFFD800  }
0x44: {  	[hbm4b:s10+s1] =	stream.linear.scatter [tilespmem:s4], [sflag:$0xD], $0x2800, $0x38;
	[tilespmem:$0x1E200] =	vst v63  }
0x45: {  	_ =	swait.ge [sflag:s15], $0x2800  }
0x46: {  	[sflag:s15] =	ssyncset.done $0x0  }
0x47: {  	s24 =	rddreg [dreg:$0x1d];
	[sflag:s15] =	ssyncadd.s32 $0xFFFFD800  }
0x48: {  	[tilespmem:s4], [sflag:$0xD] =	stream.linear.gather [spmem:s24], $0x2800, $0x38;
	[tilespmem:$0x1E200] =	vst v63  }
0x49: {  	_ =	swait.ge [sflag:s15], $0x2800  }
0x4a: {  	[sflag:s15] =	ssyncset.done $0x0  }
0x4b: {  	s10 =	rddreg [dreg:$0xd];
	[sflag:s15] =	ssyncadd.s32 $0xFFFFD800  }
0x4c: {  	[hbm4b:s10+s1] =	stream.linear.scatter [tilespmem:s4], [sflag:$0xD], $0x2800, $0x38;
	[tilespmem:$0x1E200] =	vst v63  }
0x4d: {  	_ =	swait.ge [sflag:s15], $0x2800  }
0x4e: {  	[sflag:s15] =	ssyncset.done $0x0  }
0x4f: {  	s10 =	rddreg [dreg:$0x1e];
	[sflag:s15] =	ssyncadd.s32 $0xFFFFD800  }
0x50: {  	[tilespmem:s4], [sflag:$0xD] =	stream.linear.gather [spmem:s10], $0x2800, $0x38;
	[tilespmem:$0x1E200] =	vst v63  }
0x51: {  	_ =	swait.ge [sflag:s15], $0x2800  }
0x52: {  	[sflag:s15] =	ssyncset.done $0x0  }
0x53: {  	s10 =	rddreg [dreg:$0xe];
	[sflag:s15] =	ssyncadd.s32 $0xFFFFD800  }
0x54: {  	[hbm4b:s10+s1] =	stream.linear.scatter [tilespmem:s4], [sflag:$0xD], $0x2800, $0x38;
	[tilespmem:$0x1E200] =	vst v63  }
0x55: {  	_ =	swait.ge [sflag:s15], $0x2800  }
0x56: {  	[sflag:s15] =	ssyncset.done $0x0  }
0x57: {  	s10 =	rddreg [dreg:$0x1f];
	[sflag:s15] =	ssyncadd.s32 $0xFFFFD800  }
0x58: {  	[tilespmem:s4], [sflag:$0xD] =	stream.linear.gather [spmem:s10], $0x2800, $0x38;
	[tilespmem:$0x1E200] =	vst v63  }
0x59: {  	_ =	swait.ge [sflag:s15], $0x2800  }
0x5a: {  	[sflag:s15] =	ssyncset.done $0x0  }
0x5b: {  	s10 =	rddreg [dreg:$0xf];
	[sflag:s15] =	ssyncadd.s32 $0xFFFFD800  }
0x5c: {  	[hbm4b:s10+s1] =	stream.linear.scatter [tilespmem:s4], [sflag:$0xD], $0x2800, $0x38;
	[tilespmem:$0x1E200] =	vst v63  }
0x5d: {  	_ =	swait.ge [sflag:s15], $0x2800  }
0x5e: {  	s10 =	sld [smem:$0x7F7]  }
0x5f: {  	[sflag:s15] =	ssyncset.done $0x0  }
0x60: {  	[sflag:s15] =	ssyncadd.s32 $0xFFFFD800  }
0x61: {  	[tilespmem:s4], [sflag:$0xD] =	stream.linear.gather [spmem:s10], $0x2800, $0x38;
	[tilespmem:$0x1E200] =	vst v63  }
0x62: {  	_ =	swait.ge [sflag:s15], $0x2800  }
0x63: {  	[sflag:s15] =	ssyncset.done $0x0  }
0x64: {  	s10 =	rddreg [dreg:$0x10];
	[sflag:s15] =	ssyncadd.s32 $0xFFFFD800  }
0x65: {  	[hbm4b:s10+s1] =	stream.linear.scatter [tilespmem:s4], [sflag:$0xD], $0x2800, $0x38;
	[tilespmem:$0x1E200] =	vst v63  }
0x66: {  	_ =	swait.ge [sflag:s15], $0x2800  }
0x67: {  	s10 =	sld [smem:$0x7F8]  }
0x68: {  	[sflag:s15] =	ssyncset.done $0x0  }
0x69: {  	[sflag:s15] =	ssyncadd.s32 $0xFFFFD800  }
0x6a: {  	[tilespmem:s4], [sflag:$0xD] =	stream.linear.gather [spmem:s10], $0x2800, $0x38;
	[tilespmem:$0x1E200] =	vst v63  }
0x6b: {  	_ =	swait.ge [sflag:s15], $0x2800  }
0x6c: {  	[sflag:s15] =	ssyncset.done $0x0  }
0x6d: {  	s10 =	rddreg [dreg:$0x11];
	[sflag:s15] =	ssyncadd.s32 $0xFFFFD800  }
0x6e: {  	[hbm4b:s10+s1] =	stream.linear.scatter [tilespmem:s4], [sflag:$0xD], $0x2800, $0x38;
	[tilespmem:$0x1E200] =	vst v63  }
0x6f: {  	_ =	swait.ge [sflag:s15], $0x2800  }
0x70: {  	s10 =	sld [smem:$0x7F9]  }
0x71: {  	[sflag:s15] =	ssyncset.done $0x0  }
0x72: {  	[sflag:s15] =	ssyncadd.s32 $0xFFFFD800  }
0x73: {  	[tilespmem:s4], [sflag:$0xD] =	stream.linear.gather [spmem:s10], $0x2800, $0x38;
	[tilespmem:$0x1E200] =	vst v63  }
0x74: {  	_ =	swait.ge [sflag:s15], $0x2800  }
0x75: {  	[sflag:s15] =	ssyncset.done $0x0  }
0x76: {  	s10 =	rddreg [dreg:$0x12];
	[sflag:s15] =	ssyncadd.s32 $0xFFFFD800  }
0x77: {  	[hbm4b:s10+s1] =	stream.linear.scatter [tilespmem:s4], [sflag:$0xD], $0x2800, $0x38;
	[tilespmem:$0x1E200] =	vst v63  }
0x78: {  	_ =	swait.ge [sflag:s15], $0x2800  }
0x79: {  	s10 =	sld [smem:$0x7FA]  }
0x7a: {  	[sflag:s15] =	ssyncset.done $0x0  }
0x7b: {  	[sflag:s15] =	ssyncadd.s32 $0xFFFFD800  }
0x7c: {  	[tilespmem:s4], [sflag:$0xD] =	stream.linear.gather [spmem:s10], $0x2800, $0x38;
	[tilespmem:$0x1E200] =	vst v63  }
0x7d: {  	_ =	swait.ge [sflag:s15], $0x2800  }
0x7e: {  	[sflag:s15] =	ssyncset.done $0x0  }
0x7f: {  	s10 =	rddreg [dreg:$0x13];
	[sflag:s15] =	ssyncadd.s32 $0xFFFFD800  }
0x80: {  	[hbm4b:s10+s1] =	stream.linear.scatter [tilespmem:s4], [sflag:$0xD], $0x2800, $0x38;
	[tilespmem:$0x1E200] =	vst v63  }
0x81: {  	_ =	swait.ge [sflag:s15], $0x2800  }
0x82: {  	s10 =	sld [smem:$0x7FB];
	_ =	sdelay $0x1  }
0x83: {  	s16 =	sadd.s32 $0x1, s16  }
0x84: {  	p1 =	sne.s32 s16, s10  }
.Ltmp1:
0x85: {  	_ = 	snop;
	(pc) =	sbr.rel @!p1 .LBB2_11-.Ltmp1, $3  }
0x86: {  	_ =	sdelay $0x1  }
0x87: {  	[sflag:s15] =	ssyncset.done $0x0  }
0x88: {  	[sflag:s15] =	ssyncadd.s32 $0xFFFFD800  }
.LBB2_1:
0x89: {  	[smem:$0x7F6] =	sst s16;
	s15 =	simm.s32 $0x0;
	s16 =	simm.s32 $0x200  }
.LBB2_2:
0x8a: {  	p1 =	sne.s32 s16, $0x9E00;
	[tilespmem:s15+$0x270] =	vst v0  }
0x8b: {  	[tilespmem:s15+$0x200] =	vst v0  }
0x8c: {  	[tilespmem:s15+$0x210] =	vst v0  }
.Ltmp2:
0x8d: {  	[tilespmem:s15+$0x220] =	vst v0;
	(pc) =	sbr.rel @p1 .LBB2_2-.Ltmp2, $4  }
0x8e: {  	[tilespmem:s15+$0x230] =	vst v0  }
0x8f: {  	[tilespmem:s15+$0x240] =	vst v0  }
0x90: {  	[tilespmem:s15+$0x250] =	vst v0  }
0x91: {  	[tilespmem:s15+$0x260] =	vst v0;
	s15 =	sshra.s32 s16, $0x2;
	s16 =	sadd.s32 $0x200, s16  }
0x92: {  	[tilespmem:s15+$0x270] =	vst v0  }
0x93: {  	[tilespmem:s15+$0x200] =	vst v0  }
0x94: {  	[tilespmem:s15+$0x210] =	vst v0  }
0x95: {  	[tilespmem:s15+$0x220] =	vst v0  }
0x96: {  	[tilespmem:s15+$0x230] =	vst v0  }
0x97: {  	[tilespmem:s15+$0x240] =	vst v0  }
0x98: {  	[tilespmem:s15+$0x250] =	vst v0  }
0x99: {  	[tilespmem:s15+$0x260] =	vst v0;
	s15 =	simm.s32 $0xD  }
0x9a: {  	[spmem:s19] =	stream.linear.scatter [tilespmem:s4], [sflag:$0xD], $0x2800, $0x38;
	[tilespmem:$0x1E200] =	vst v63  }
0x9b: {  	_ =	swait.ge [sflag:s15], $0x2800  }
0x9c: {  	[sflag:s15] =	ssyncset.done $0x0  }
0x9d: {  	[sflag:s15] =	ssyncadd.s32 $0xFFFFD800  }
0x9e: {  	[spmem:s24] =	stream.linear.scatter [tilespmem:s4], [sflag:$0xD], $0x2800, $0x38;
	[tilespmem:$0x1E200] =	vst v63  }
0x9f: {  	_ =	swait.ge [sflag:s15], $0x2800  }
0xa0: {  	[sflag:s15] =	ssyncset.done $0x0  }
0xa1: {  	s10 =	rddreg [dreg:$0x1e];
	[sflag:s15] =	ssyncadd.s32 $0xFFFFD800  }
0xa2: {  	[spmem:s10] =	stream.linear.scatter [tilespmem:s4], [sflag:$0xD], $0x2800, $0x38;
	[tilespmem:$0x1E200] =	vst v63  }
0xa3: {  	_ =	swait.ge [sflag:s15], $0x2800  }
0xa4: {  	[sflag:s15] =	ssyncset.done $0x0  }
0xa5: {  	s19 =	rddreg [dreg:$0x1f];
	[sflag:s15] =	ssyncadd.s32 $0xFFFFD800  }
0xa6: {  	[spmem:s19] =	stream.linear.scatter [tilespmem:s4], [sflag:$0xD], $0x2800, $0x38;
	[tilespmem:$0x1E200] =	vst v63  }
0xa7: {  	_ =	swait.ge [sflag:s15], $0x2800  }
0xa8: {  	s24 =	sld [smem:$0x7F7]  }
0xa9: {  	[sflag:s15] =	ssyncset.done $0x0  }
0xaa: {  	[sflag:s15] =	ssyncadd.s32 $0xFFFFD800  }
0xab: {  	[spmem:s24] =	stream.linear.scatter [tilespmem:s4], [sflag:$0xD], $0x2800, $0x38;
	[tilespmem:$0x1E200] =	vst v63  }
0xac: {  	_ =	swait.ge [sflag:s15], $0x2800  }
0xad: {  	s16 =	sld [smem:$0x7F8]  }
0xae: {  	[sflag:s15] =	ssyncset.done $0x0  }
0xaf: {  	[sflag:s15] =	ssyncadd.s32 $0xFFFFD800  }
0xb0: {  	[spmem:s16] =	stream.linear.scatter [tilespmem:s4], [sflag:$0xD], $0x2800, $0x38;
	[tilespmem:$0x1E200] =	vst v63  }
0xb1: {  	_ =	swait.ge [sflag:s15], $0x2800  }
0xb2: {  	s19 =	sld [smem:$0x7F9]  }
0xb3: {  	[sflag:s15] =	ssyncset.done $0x0  }
0xb4: {  	[sflag:s15] =	ssyncadd.s32 $0xFFFFD800  }
0xb5: {  	[spmem:s19] =	stream.linear.scatter [tilespmem:s4], [sflag:$0xD], $0x2800, $0x38;
	[tilespmem:$0x1E200] =	vst v63  }
0xb6: {  	_ =	swait.ge [sflag:s15], $0x2800  }
0xb7: {  	s24 =	sld [smem:$0x7FA]  }
0xb8: {  	[sflag:s15] =	ssyncset.done $0x0  }
0xb9: {  	[sflag:s15] =	ssyncadd.s32 $0xFFFFD800  }
0xba: {  	[spmem:s24] =	stream.linear.scatter [tilespmem:s4], [sflag:$0xD], $0x2800, $0x38;
	[tilespmem:$0x1E200] =	vst v63  }
.Ltmp3:
0xbb: {  	_ =	swait.ge [sflag:s15], $0x2800;
	(pc) =	sbr.rel @!p0 .LBB2_4-.Ltmp3, $3  }
0xbc: {  	[sflag:s15] =	ssyncset.done $0x0  }
0xbd: {  	[sflag:s15] =	ssyncadd.s32 $0xFFFFD800  }
0xbe: {  	[bflag:$0x0] =	sbarrier.arrive $0xFFFF;
	_ =	sdelay $0x1  }
0xbf: {  	s10 =	simm.s32 $0x0;
	s12 =	rddreg [dreg:$0x16]  }
0xc0: {  	[tilespmem:s10], [sflag:$0x1] =	stream.linear.gather [hbm4b:s12+s10], $0x50, $0x38;
	[tilespmem:$0x1E200] =	vst v63  }
0xc1: {  	s19 =	rddreg [dreg:$0x17]  }
0xc2: {  	[tilespmem:s20], [sflag:$0x3] =	stream.linear.gather [hbm4b:s19+s10], $0x50, $0x38;
	[tilespmem:$0x1E200] =	vst v63  }
0xc3: {  	s24 =	rddreg [dreg:$0xa]  }
0xc4: {  	[tilespmem:s21], [sflag:$0x5] =	stream.linear.gather [hbm4b:s24+s10], $0x2800, $0x38;
	[tilespmem:$0x1E200] =	vst v63  }
0xc5: {  	_ =	swait.ge [sflag:s6], $0x50  }
0xc6: {  	[sflag:s6] =	ssyncset.done $0x0  }
0xc7: {  	[sflag:s6] =	ssyncadd.s32 $0xFFFFFFB0  }
0xc8: {  	_ =	swait.ge [sflag:s7], $0x50  }
0xc9: {  	[sflag:s7] =	ssyncset.done $0x0  }
0xca: {  	[sflag:s7] =	ssyncadd.s32 $0xFFFFFFB0  }
0xcb: {  	_ =	swait.ge [sflag:s8], $0x2800  }
0xcc: {  	[sflag:s8] =	ssyncset.done $0x0  }
0xcd: {  	[sflag:s8] =	ssyncadd.s32 $0xFFFFD800  }
0xce: {  	[tilespmem:s4], [sflag:$0x7] =	stream.indirect.gather [hbm4b:s30+s9], $0x80, s10, s9, $0xb8;
	[tilespmem:$0x1E200] =	vst v63  }
0xcf: {  	s24 =	simm.s32 $0x80;
	s15 =	rddreg [dreg:$0x1a]  }
0xd0: {  	[tilespmem:s24], [sflag:$0x2] =	stream.linear.gather [hbm4b:s15+s10], $0x50, $0x38;
	[tilespmem:$0x1E200] =	vst v63  }
0xd1: {  	s16 =	rddreg [dreg:$0x1b]  }
0xd2: {  	[tilespmem:s11], [sflag:$0x4] =	stream.linear.gather [hbm4b:s16+s10], $0x50, $0x38;
	[tilespmem:$0x1E200] =	vst v63  }
0xd3: {  	s19 =	rddreg [dreg:$0xb];
	s15 =	simm.s32 $0x7A00  }
0xd4: {  	[tilespmem:s15], [sflag:$0x6] =	stream.linear.gather [hbm4b:s19+s10], $0x2800, $0x38;
	[tilespmem:$0x1E200] =	vst v63  }
0xd5: {  	_ =	swait.ge [sflag:s13], $0x2800  }
0xd6: {  	[sflag:s13] =	ssyncset.done $0x0  }
0xd7: {  	[sflag:s13] =	ssyncadd.s32 $0xFFFFD800  }
0xd8: {  	[spmem:s26] =	stream.indirect.scatter.add.f32 [tilespmem:s4], [sflag:$0x9], $0x80, s20, s9, $0xb8;
	[tilespmem:$0x1E200] =	vst v63  }
0xd9: {  	_ = 	snop  }
0xda: {  	[spmem:s26] =	stream.indirect.scatter.add.f32 [tilespmem:s21], [sflag:$0xB], $0x80, s20, s9, $0xb8;
	[tilespmem:$0x1E200] =	vst v63  }
0xdb: {  	_ =	swait.ge [sflag:s17], $0x50  }
0xdc: {  	[sflag:s17] =	ssyncset.done $0x0  }
0xdd: {  	[sflag:s17] =	ssyncadd.s32 $0xFFFFFFB0  }
0xde: {  	_ =	swait.ge [sflag:s2], $0x50  }
0xdf: {  	[sflag:s2] =	ssyncset.done $0x0  }
0xe0: {  	[sflag:s2] =	ssyncadd.s32 $0xFFFFFFB0  }
0xe1: {  	_ =	swait.ge [sflag:s18], $0x2800  }
0xe2: {  	[sflag:s18] =	ssyncset.done $0x0  }
0xe3: {  	[sflag:s18] =	ssyncadd.s32 $0xFFFFD800  }
0xe4: {  	[tilespmem:s31], [sflag:$0x8] =	stream.indirect.gather [hbm4b:s30+s9], $0x80, s24, s9, $0xb8;
	[tilespmem:$0x1E200] =	vst v63  }
0xe5: {  	_ =	swait.ge [sflag:s23], $0x2800  }
0xe6: {  	[sflag:s23] =	ssyncset.done $0x0  }
0xe7: {  	[sflag:s23] =	ssyncadd.s32 $0xFFFFD800  }
0xe8: {  	s16 =	sadd.s32 $0x0, s29;
	_ =	swait.ge [sflag:s0], $0x2800  }
0xe9: {  	s10 =	sadd.s32 $0x14, s16;
	s19 =	sadd.s32 $0x0, s28;
	[sflag:s0] =	ssyncset.done $0x0  }
0xea: {  	s12 =	sadd.s32 $0x14, s19;
	s19 =	sld [smem:$0x7FD];
	[sflag:s0] =	ssyncadd.s32 $0xFFFFD800  }
0xeb: {  	[tilespmem:s1], [sflag:$0x1] =	stream.linear.gather [hbm4b:s10+s1], $0x50, $0x38;
	[tilespmem:$0x1E200] =	vst v63  }
0xec: {  	_ = 	snop  }
0xed: {  	[tilespmem:s20], [sflag:$0x3] =	stream.linear.gather [hbm4b:s12+s1], $0x50, $0x38;
	[tilespmem:$0x1E200] =	vst v63  }
0xee: {  	s16 =	sadd.s32 $0xFFFFFB00, s19  }
0xef: {  	[tilespmem:s21], [sflag:$0x5] =	stream.linear.gather [hbm4b:s16+s1], $0x2800, $0x38;
	[tilespmem:$0x1E200] =	vst v63  }
0xf0: {  	_ =	swait.ge [sflag:s3], $0x2800  }
0xf1: {  	[sflag:s3] =	ssyncset.done $0x0  }
0xf2: {  	[sflag:s3] =	ssyncadd.s32 $0xFFFFD800  }
0xf3: {  	[spmem:s26] =	stream.indirect.scatter.add.f32 [tilespmem:s31], [sflag:$0xA], $0x80, s11, s9, $0xb8;
	[tilespmem:$0x1E200] =	vst v63  }
0xf4: {  	_ = 	snop  }
0xf5: {  	[spmem:s26] =	stream.indirect.scatter.add.f32 [tilespmem:s15], [sflag:$0xC], $0x80, s11, s9, $0xb8;
	[tilespmem:$0x1E200] =	vst v63  }
0xf6: {  	_ =	swait.ge [sflag:s6], $0x50  }
0xf7: {  	[sflag:s6] =	ssyncset.done $0x0  }
0xf8: {  	[sflag:s6] =	ssyncadd.s32 $0xFFFFFFB0  }
0xf9: {  	_ =	swait.ge [sflag:s7], $0x50  }
0xfa: {  	[sflag:s7] =	ssyncset.done $0x0  }
0xfb: {  	[sflag:s7] =	ssyncadd.s32 $0xFFFFFFB0  }
0xfc: {  	_ =	swait.ge [sflag:s8], $0x2800  }
0xfd: {  	[sflag:s8] =	ssyncset.done $0x0  }
0xfe: {  	[sflag:s8] =	ssyncadd.s32 $0xFFFFD800  }
0xff: {  	[tilespmem:s4], [sflag:$0x7] =	stream.indirect.gather [hbm4b:s30+s9], $0x80, s1, s9, $0xb8;
	[tilespmem:$0x1E200] =	vst v63  }
0x100: {  	_ =	swait.ge [sflag:s5], $0x2800  }
0x101: {  	[sflag:s5] =	ssyncset.done $0x0  }
0x102: {  	p1 =	por $0x0, $0x0;
	[sflag:s5] =	ssyncadd.s32 $0xFFFFD800  }
0x103: {  	s10 =	sadd.s32 @!p1 $0x0, s29;
	_ =	swait.ge [sflag:s14], $0x2800  }
0x104: {  	s10 =	sadd.s32 @!p1 $0x1E, s10;
	[sflag:s14] =	ssyncset.done $0x0  }
0x105: {  	s12 =	simm.s32 @!p1 $0x0;
	s15 =	simm.s32 @!p1 $0x80;
	[sflag:s14] =	ssyncadd.s32 $0xFFFFD800  }
0x106: {  	[tilespmem:s15], [sflag:$0x2] =	stream.linear.gather @!p1 [hbm4b:s10+s12], $0x50, $0x38;
	[tilespmem:$0x1E200] =	vst v63  }
0x107: {  	s10 =	sadd.s32 @!p1 $0x0, s28  }
0x108: {  	s15 =	simm.s32 @!p1 $0x180;
	s10 =	sadd.s32 @!p1 $0x1E, s10  }
0x109: {  	[tilespmem:s15], [sflag:$0x4] =	stream.linear.gather @!p1 [hbm4b:s10+s12], $0x50, $0x38;
	[tilespmem:$0x1E200] =	vst v63  }
0x10a: {  	s10 =	simm.s32 @!p1 $0x7A00  }
0x10b: {  	[tilespmem:s10], [sflag:$0x6] =	stream.linear.gather @!p1 [hbm4b:s19+s12], $0x2800, $0x38;
	[tilespmem:$0x1E200] =	vst v63  }
0x10c: {  	_ =	swait.ge [sflag:s13], $0x2800  }
0x10d: {  	[sflag:s13] =	ssyncset.done $0x0  }
0x10e: {  	s16 =	simm.s32 $0x14;
	s15 =	smov.u32 s19;
	[sflag:s13] =	ssyncadd.s32 $0xFFFFD800  }
0x10f: {  	[spmem:s26] =	stream.indirect.scatter.add.f32 [tilespmem:s4], [sflag:$0x9], $0x80, s20, s9, $0xb8;
	[tilespmem:$0x1E200] =	vst v63  }
.LBB2_8:
0x110: {  	s15 =	sadd.s32 $0xA00, s15;
	s19 =	smov.u32 s16;
	s16 =	sadd.s32 $0x14, s16  }
0x111: {  	[spmem:s26] =	stream.indirect.scatter.add.f32 [tilespmem:s21], [sflag:$0xB], $0x80, s20, s9, $0xb8;
	[tilespmem:$0x1E200] =	vst v63  }
0x112: {  	p1 =	sne.s32 s16, $0x4D8;
	_ =	swait.ge [sflag:s17], $0x50  }
0x113: {  	[sflag:s17] =	ssyncset.done $0x0  }
0x114: {  	[sflag:s17] =	ssyncadd.s32 $0xFFFFFFB0  }
0x115: {  	_ =	swait.ge [sflag:s2], $0x50  }
0x116: {  	[sflag:s2] =	ssyncset.done $0x0  }
0x117: {  	[sflag:s2] =	ssyncadd.s32 $0xFFFFFFB0  }
0x118: {  	_ =	swait.ge [sflag:s18], $0x2800  }
0x119: {  	[sflag:s18] =	ssyncset.done $0x0  }
0x11a: {  	[sflag:s18] =	ssyncadd.s32 $0xFFFFD800  }
0x11b: {  	[tilespmem:s31], [sflag:$0x8] =	stream.indirect.gather [hbm4b:s30+s9], $0x80, s24, s9, $0xb8;
	[tilespmem:$0x1E200] =	vst v63  }
0x11c: {  	_ =	swait.ge [sflag:s23], $0x2800  }
0x11d: {  	[sflag:s23] =	ssyncset.done $0x0  }
0x11e: {  	[sflag:s23] =	ssyncadd.s32 $0xFFFFD800  }
0x11f: {  	_ =	swait.ge [sflag:s0], $0x2800  }
0x120: {  	s10 =	sadd.s32 s19, s29;
	[sflag:s0] =	ssyncset.done $0x0  }
0x121: {  	s12 =	sadd.s32 s19, s28;
	s10 =	sadd.s32 $0x14, s10;
	[sflag:s0] =	ssyncadd.s32 $0xFFFFD800  }
0x122: {  	[tilespmem:s1], [sflag:$0x1] =	stream.linear.gather [hbm4b:s10+s1], $0x50, $0x38;
	[tilespmem:$0x1E200] =	vst v63  }
0x123: {  	s10 =	sadd.s32 $0x14, s12  }
0x124: {  	[tilespmem:s20], [sflag:$0x3] =	stream.linear.gather [hbm4b:s10+s1], $0x50, $0x38;
	[tilespmem:$0x1E200] =	vst v63  }
0x125: {  	s10 =	sadd.s32 $0xFFFFFB00, s15  }
0x126: {  	[tilespmem:s21], [sflag:$0x5] =	stream.linear.gather [hbm4b:s10+s1], $0x2800, $0x38;
	[tilespmem:$0x1E200] =	vst v63  }
0x127: {  	_ =	swait.ge [sflag:s3], $0x2800  }
0x128: {  	[sflag:s3] =	ssyncset.done $0x0  }
0x129: {  	[sflag:s3] =	ssyncadd.s32 $0xFFFFD800  }
0x12a: {  	[spmem:s26] =	stream.indirect.scatter.add.f32 [tilespmem:s31], [sflag:$0xA], $0x80, s11, s9, $0xb8;
	[tilespmem:$0x1E200] =	vst v63  }
0x12b: {  	s10 =	simm.s32 $0x7A00  }
0x12c: {  	[spmem:s26] =	stream.indirect.scatter.add.f32 [tilespmem:s10], [sflag:$0xC], $0x80, s11, s9, $0xb8;
	[tilespmem:$0x1E200] =	vst v63  }
0x12d: {  	_ =	swait.ge [sflag:s6], $0x50  }
0x12e: {  	[sflag:s6] =	ssyncset.done $0x0  }
0x12f: {  	[sflag:s6] =	ssyncadd.s32 $0xFFFFFFB0  }
0x130: {  	_ =	swait.ge [sflag:s7], $0x50  }
0x131: {  	[sflag:s7] =	ssyncset.done $0x0  }
0x132: {  	[sflag:s7] =	ssyncadd.s32 $0xFFFFFFB0  }
0x133: {  	_ =	swait.ge [sflag:s8], $0x2800  }
0x134: {  	[sflag:s8] =	ssyncset.done $0x0  }
0x135: {  	[sflag:s8] =	ssyncadd.s32 $0xFFFFD800  }
0x136: {  	[tilespmem:s4], [sflag:$0x7] =	stream.indirect.gather [hbm4b:s30+s9], $0x80, s1, s9, $0xb8;
	[tilespmem:$0x1E200] =	vst v63  }
0x137: {  	_ =	swait.ge [sflag:s5], $0x2800  }
0x138: {  	[sflag:s5] =	ssyncset.done $0x0  }
0x139: {  	[sflag:s5] =	ssyncadd.s32 $0xFFFFD800  }
0x13a: {  	p2 =	seq.s32 s19, $0x4C4;
	_ =	swait.ge [sflag:s14], $0x2800  }
0x13b: {  	s12 =	simm.s32 @!p2 $0x0;
	s10 =	sadd.s32 @!p2 s19, s29;
	[sflag:s14] =	ssyncset.done $0x0  }
0x13c: {  	s24 =	simm.s32 @!p2 $0x80;
	s10 =	sadd.s32 @!p2 $0x1E, s10;
	[sflag:s14] =	ssyncadd.s32 $0xFFFFD800  }
0x13d: {  	[tilespmem:s24], [sflag:$0x2] =	stream.linear.gather @!p2 [hbm4b:s10+s12], $0x50, $0x38;
	[tilespmem:$0x1E200] =	vst v63  }
0x13e: {  	s10 =	sadd.s32 @!p2 s19, s28;
	s19 =	simm.s32 @!p2 $0x180  }
0x13f: {  	s24 =	simm.s32 @!p2 $0x7A00;
	s10 =	sadd.s32 @!p2 $0x1E, s10  }
0x140: {  	[tilespmem:s19], [sflag:$0x4] =	stream.linear.gather @!p2 [hbm4b:s10+s12], $0x50, $0x38;
	[tilespmem:$0x1E200] =	vst v63  }
0x141: {  	_ = 	snop  }
0x142: {  	[tilespmem:s24], [sflag:$0x6] =	stream.linear.gather @!p2 [hbm4b:s15+s12], $0x2800, $0x38;
	[tilespmem:$0x1E200] =	vst v63  }
.Ltmp4:
0x143: {  	s24 =	simm.s32 $0x80;
	(pc) =	sbr.rel @p1 .LBB2_8-.Ltmp4, $4  }
0x144: {  	_ =	swait.ge [sflag:s13], $0x2800  }
0x145: {  	[sflag:s13] =	ssyncset.done $0x0  }
0x146: {  	[sflag:s13] =	ssyncadd.s32 $0xFFFFD800  }
0x147: {  	[spmem:s26] =	stream.indirect.scatter.add.f32 [tilespmem:s4], [sflag:$0x9], $0x80, s20, s9, $0xb8;
	[tilespmem:$0x1E200] =	vst v63  }
.Ltmp5:
0x148: {  	(pc) =	sbr.rel .LBB2_10-.Ltmp5, $4  }
0x149: {  	[spmem:s26] =	stream.indirect.scatter.add.f32 [tilespmem:s21], [sflag:$0xB], $0x80, s20, s9, $0xb8;
	[tilespmem:$0x1E200] =	vst v63  }
0x14a: {  	s12 =	rddreg [dreg:$0x0]  }
0x14b: {  	s19 =	rddreg [dreg:$0x1c]  }
0x14c: {  	s16 =	sld [smem:$0x7F6]  }
.LBB2_4:
0x14d: {  	s15 =	simm.s32 $0x0;
	s10 =	rddreg [dreg:$0x14]  }
0x14e: {  	[tilespmem:s15], [sflag:$0x1] =	stream.linear.gather [hbm4b:s10+s15], $0x50, $0x38;
	[tilespmem:$0x1E200] =	vst v63  }
0x14f: {  	s19 =	rddreg [dreg:$0x15]  }
0x150: {  	[tilespmem:s20], [sflag:$0x3] =	stream.linear.gather [hbm4b:s19+s15], $0x50, $0x38;
	[tilespmem:$0x1E200] =	vst v63  }
0x151: {  	s24 =	rddreg [dreg:$0x8]  }
0x152: {  	[tilespmem:s21], [sflag:$0x5] =	stream.linear.gather [hbm4b:s24+s15], $0x2800, $0x38;
	[tilespmem:$0x1E200] =	vst v63  }
0x153: {  	_ =	swait.ge [sflag:s6], $0x50  }
0x154: {  	[sflag:s6] =	ssyncset.done $0x0  }
0x155: {  	[sflag:s6] =	ssyncadd.s32 $0xFFFFFFB0  }
0x156: {  	_ =	swait.ge [sflag:s7], $0x50  }
0x157: {  	[sflag:s7] =	ssyncset.done $0x0  }
0x158: {  	[sflag:s7] =	ssyncadd.s32 $0xFFFFFFB0  }
0x159: {  	_ =	swait.ge [sflag:s8], $0x2800  }
0x15a: {  	[sflag:s8] =	ssyncset.done $0x0  }
0x15b: {  	[sflag:s8] =	ssyncadd.s32 $0xFFFFD800  }
0x15c: {  	[tilespmem:s4], [sflag:$0x7] =	stream.indirect.gather [hbm4b:s12+s9], $0x80, s15, s9, $0xb8;
	[tilespmem:$0x1E200] =	vst v63  }
0x15d: {  	s24 =	simm.s32 $0x80;
	s16 =	rddreg [dreg:$0x18]  }
0x15e: {  	[tilespmem:s24], [sflag:$0x2] =	stream.linear.gather [hbm4b:s16+s15], $0x50, $0x38;
	[tilespmem:$0x1E200] =	vst v63  }
0x15f: {  	s19 =	rddreg [dreg:$0x19]  }
0x160: {  	[tilespmem:s11], [sflag:$0x4] =	stream.linear.gather [hbm4b:s19+s15], $0x50, $0x38;
	[tilespmem:$0x1E200] =	vst v63  }
0x161: {  	s16 =	rddreg [dreg:$0x9];
	s19 =	simm.s32 $0x7A00  }
0x162: {  	[tilespmem:s19], [sflag:$0x6] =	stream.linear.gather [hbm4b:s16+s15], $0x2800, $0x38;
	[tilespmem:$0x1E200] =	vst v63  }
0x163: {  	_ =	swait.ge [sflag:s13], $0x2800  }
0x164: {  	[sflag:s13] =	ssyncset.done $0x0  }
0x165: {  	[sflag:s13] =	ssyncadd.s32 $0xFFFFD800  }
0x166: {  	[spmem:s26] =	stream.indirect.scatter.add.f32 [tilespmem:s4], [sflag:$0x9], $0x80, s20, s9, $0xb8;
	[tilespmem:$0x1E200] =	vst v63  }
0x167: {  	_ = 	snop  }
0x168: {  	[spmem:s26] =	stream.indirect.scatter.add.f32 [tilespmem:s21], [sflag:$0xB], $0x80, s20, s9, $0xb8;
	[tilespmem:$0x1E200] =	vst v63  }
0x169: {  	_ =	swait.ge [sflag:s17], $0x50  }
0x16a: {  	[sflag:s17] =	ssyncset.done $0x0  }
0x16b: {  	[sflag:s17] =	ssyncadd.s32 $0xFFFFFFB0  }
0x16c: {  	_ =	swait.ge [sflag:s2], $0x50  }
0x16d: {  	[sflag:s2] =	ssyncset.done $0x0  }
0x16e: {  	[sflag:s2] =	ssyncadd.s32 $0xFFFFFFB0  }
0x16f: {  	_ =	swait.ge [sflag:s18], $0x2800  }
0x170: {  	[sflag:s18] =	ssyncset.done $0x0  }
0x171: {  	[sflag:s18] =	ssyncadd.s32 $0xFFFFD800  }
0x172: {  	[tilespmem:s31], [sflag:$0x8] =	stream.indirect.gather [hbm4b:s12+s9], $0x80, s24, s9, $0xb8;
	[tilespmem:$0x1E200] =	vst v63  }
0x173: {  	_ =	swait.ge [sflag:s23], $0x2800  }
0x174: {  	[sflag:s23] =	ssyncset.done $0x0  }
0x175: {  	[sflag:s23] =	ssyncadd.s32 $0xFFFFD800  }
0x176: {  	_ =	swait.ge [sflag:s0], $0x2800  }
0x177: {  	s16 =	sadd.s32 $0x0, s25;
	[sflag:s0] =	ssyncset.done $0x0  }
0x178: {  	s15 =	sadd.s32 $0x14, s16;
	s16 =	sadd.s32 $0x0, s22;
	[sflag:s0] =	ssyncadd.s32 $0xFFFFD800  }
0x179: {  	[tilespmem:s1], [sflag:$0x1] =	stream.linear.gather [hbm4b:s15+s1], $0x50, $0x38;
	[tilespmem:$0x1E200] =	vst v63  }
0x17a: {  	s10 =	sadd.s32 $0x14, s16  }
0x17b: {  	[tilespmem:s20], [sflag:$0x3] =	stream.linear.gather [hbm4b:s10+s1], $0x50, $0x38;
	[tilespmem:$0x1E200] =	vst v63  }
0x17c: {  	s10 =	sld [smem:$0x7FC];
	_ =	sdelay $0x2  }
0x17d: {  	s16 =	sadd.s32 $0xFFFFFB00, s10  }
0x17e: {  	[tilespmem:s21], [sflag:$0x5] =	stream.linear.gather [hbm4b:s16+s1], $0x2800, $0x38;
	[tilespmem:$0x1E200] =	vst v63  }
0x17f: {  	_ =	swait.ge [sflag:s3], $0x2800  }
0x180: {  	[sflag:s3] =	ssyncset.done $0x0  }
0x181: {  	[sflag:s3] =	ssyncadd.s32 $0xFFFFD800  }
0x182: {  	[spmem:s26] =	stream.indirect.scatter.add.f32 [tilespmem:s31], [sflag:$0xA], $0x80, s11, s9, $0xb8;
	[tilespmem:$0x1E200] =	vst v63  }
0x183: {  	_ = 	snop  }
0x184: {  	[spmem:s26] =	stream.indirect.scatter.add.f32 [tilespmem:s19], [sflag:$0xC], $0x80, s11, s9, $0xb8;
	[tilespmem:$0x1E200] =	vst v63  }
0x185: {  	_ =	swait.ge [sflag:s6], $0x50  }
0x186: {  	[sflag:s6] =	ssyncset.done $0x0  }
0x187: {  	[sflag:s6] =	ssyncadd.s32 $0xFFFFFFB0  }
0x188: {  	_ =	swait.ge [sflag:s7], $0x50  }
0x189: {  	[sflag:s7] =	ssyncset.done $0x0  }
0x18a: {  	[sflag:s7] =	ssyncadd.s32 $0xFFFFFFB0  }
0x18b: {  	_ =	swait.ge [sflag:s8], $0x2800  }
0x18c: {  	[sflag:s8] =	ssyncset.done $0x0  }
0x18d: {  	[sflag:s8] =	ssyncadd.s32 $0xFFFFD800  }
0x18e: {  	[tilespmem:s4], [sflag:$0x7] =	stream.indirect.gather [hbm4b:s12+s9], $0x80, s1, s9, $0xb8;
	[tilespmem:$0x1E200] =	vst v63  }
0x18f: {  	_ =	swait.ge [sflag:s5], $0x2800  }
0x190: {  	[sflag:s5] =	ssyncset.done $0x0  }
0x191: {  	p1 =	por $0x0, $0x0;
	[sflag:s5] =	ssyncadd.s32 $0xFFFFD800  }
0x192: {  	s15 =	sadd.s32 @!p1 $0x0, s25;
	_ =	swait.ge [sflag:s14], $0x2800  }
0x193: {  	s15 =	sadd.s32 @!p1 $0x1E, s15;
	[sflag:s14] =	ssyncset.done $0x0  }
0x194: {  	s16 =	simm.s32 @!p1 $0x0;
	s19 =	simm.s32 @!p1 $0x80;
	[sflag:s14] =	ssyncadd.s32 $0xFFFFD800  }
0x195: {  	[tilespmem:s19], [sflag:$0x2] =	stream.linear.gather @!p1 [hbm4b:s15+s16], $0x50, $0x38;
	[tilespmem:$0x1E200] =	vst v63  }
0x196: {  	s15 =	sadd.s32 @!p1 $0x0, s22  }
0x197: {  	s19 =	simm.s32 @!p1 $0x180;
	s15 =	sadd.s32 @!p1 $0x1E, s15  }
0x198: {  	[tilespmem:s19], [sflag:$0x4] =	stream.linear.gather @!p1 [hbm4b:s15+s16], $0x50, $0x38;
	[tilespmem:$0x1E200] =	vst v63  }
0x199: {  	s15 =	simm.s32 @!p1 $0x7A00  }
0x19a: {  	[tilespmem:s15], [sflag:$0x6] =	stream.linear.gather @!p1 [hbm4b:s10+s16], $0x2800, $0x38;
	[tilespmem:$0x1E200] =	vst v63  }
0x19b: {  	_ =	swait.ge [sflag:s13], $0x2800  }
0x19c: {  	[sflag:s13] =	ssyncset.done $0x0  }
0x19d: {  	s16 =	simm.s32 $0x14;
	s15 =	smov.u32 s10;
	[sflag:s13] =	ssyncadd.s32 $0xFFFFD800  }
0x19e: {  	[spmem:s26] =	stream.indirect.scatter.add.f32 [tilespmem:s4], [sflag:$0x9], $0x80, s20, s9, $0xb8;
	[tilespmem:$0x1E200] =	vst v63  }
.LBB2_5:
0x19f: {  	[spmem:s26] =	stream.indirect.scatter.add.f32 [tilespmem:s21], [sflag:$0xB], $0x80, s20, s9, $0xb8;
	[tilespmem:$0x1E200] =	vst v63  }
0x1a0: {  	_ =	swait.ge [sflag:s17], $0x50  }
0x1a1: {  	[sflag:s17] =	ssyncset.done $0x0  }
0x1a2: {  	[sflag:s17] =	ssyncadd.s32 $0xFFFFFFB0  }
0x1a3: {  	_ =	swait.ge [sflag:s2], $0x50  }
0x1a4: {  	[sflag:s2] =	ssyncset.done $0x0  }
0x1a5: {  	[sflag:s2] =	ssyncadd.s32 $0xFFFFFFB0  }
0x1a6: {  	_ =	swait.ge [sflag:s18], $0x2800  }
0x1a7: {  	[sflag:s18] =	ssyncset.done $0x0  }
0x1a8: {  	[sflag:s18] =	ssyncadd.s32 $0xFFFFD800  }
0x1a9: {  	[tilespmem:s31], [sflag:$0x8] =	stream.indirect.gather [hbm4b:s12+s9], $0x80, s24, s9, $0xb8;
	[tilespmem:$0x1E200] =	vst v63  }
0x1aa: {  	_ =	swait.ge [sflag:s23], $0x2800  }
0x1ab: {  	[sflag:s23] =	ssyncset.done $0x0  }
0x1ac: {  	[sflag:s23] =	ssyncadd.s32 $0xFFFFD800  }
0x1ad: {  	s19 =	smov.u32 s16;
	_ =	swait.ge [sflag:s0], $0x2800  }
0x1ae: {  	s10 =	sadd.s32 s19, s25;
	[sflag:s0] =	ssyncset.done $0x0  }
0x1af: {  	s24 =	sadd.s32 $0x14, s10;
	s10 =	sadd.s32 s19, s22;
	[sflag:s0] =	ssyncadd.s32 $0xFFFFD800  }
0x1b0: {  	[tilespmem:s1], [sflag:$0x1] =	stream.linear.gather [hbm4b:s24+s1], $0x50, $0x38;
	[tilespmem:$0x1E200] =	vst v63  }
0x1b1: {  	s15 =	sadd.s32 $0xA00, s15;
	s10 =	sadd.s32 $0x14, s10  }
0x1b2: {  	[tilespmem:s20], [sflag:$0x3] =	stream.linear.gather [hbm4b:s10+s1], $0x50, $0x38;
	[tilespmem:$0x1E200] =	vst v63  }
0x1b3: {  	s24 =	sadd.s32 $0xFFFFFB00, s15  }
0x1b4: {  	[tilespmem:s21], [sflag:$0x5] =	stream.linear.gather [hbm4b:s24+s1], $0x2800, $0x38;
	[tilespmem:$0x1E200] =	vst v63  }
0x1b5: {  	_ =	swait.ge [sflag:s3], $0x2800  }
0x1b6: {  	[sflag:s3] =	ssyncset.done $0x0  }
0x1b7: {  	[sflag:s3] =	ssyncadd.s32 $0xFFFFD800  }
0x1b8: {  	[spmem:s26] =	stream.indirect.scatter.add.f32 [tilespmem:s31], [sflag:$0xA], $0x80, s11, s9, $0xb8;
	[tilespmem:$0x1E200] =	vst v63  }
0x1b9: {  	s24 =	simm.s32 $0x7A00  }
0x1ba: {  	[spmem:s26] =	stream.indirect.scatter.add.f32 [tilespmem:s24], [sflag:$0xC], $0x80, s11, s9, $0xb8;
	[tilespmem:$0x1E200] =	vst v63  }
0x1bb: {  	_ =	swait.ge [sflag:s6], $0x50  }
0x1bc: {  	[sflag:s6] =	ssyncset.done $0x0  }
0x1bd: {  	[sflag:s6] =	ssyncadd.s32 $0xFFFFFFB0  }
0x1be: {  	_ =	swait.ge [sflag:s7], $0x50  }
0x1bf: {  	[sflag:s7] =	ssyncset.done $0x0  }
0x1c0: {  	[sflag:s7] =	ssyncadd.s32 $0xFFFFFFB0  }
0x1c1: {  	_ =	swait.ge [sflag:s8], $0x2800  }
0x1c2: {  	[sflag:s8] =	ssyncset.done $0x0  }
0x1c3: {  	[sflag:s8] =	ssyncadd.s32 $0xFFFFD800  }
0x1c4: {  	[tilespmem:s4], [sflag:$0x7] =	stream.indirect.gather [hbm4b:s12+s9], $0x80, s1, s9, $0xb8;
	[tilespmem:$0x1E200] =	vst v63  }
0x1c5: {  	_ =	swait.ge [sflag:s5], $0x2800  }
0x1c6: {  	[sflag:s5] =	ssyncset.done $0x0  }
0x1c7: {  	p2 =	seq.s32 s19, $0x4C4;
	[sflag:s5] =	ssyncadd.s32 $0xFFFFD800  }
0x1c8: {  	s10 =	sadd.s32 @!p2 s19, s25;
	_ =	swait.ge [sflag:s14], $0x2800  }
0x1c9: {  	s10 =	sadd.s32 @!p2 $0x1E, s10;
	[sflag:s14] =	ssyncset.done $0x0  }
0x1ca: {  	s24 =	simm.s32 @!p2 $0x0;
	s12 =	simm.s32 @!p2 $0x80;
	[sflag:s14] =	ssyncadd.s32 $0xFFFFD800  }
0x1cb: {  	[tilespmem:s12], [sflag:$0x2] =	stream.linear.gather @!p2 [hbm4b:s10+s24], $0x50, $0x38;
	[tilespmem:$0x1E200] =	vst v63  }
0x1cc: {  	s10 =	sadd.s32 @!p2 s19, s22  }
0x1cd: {  	s16 =	sadd.s32 $0x14, s16;
	s12 =	simm.s32 @!p2 $0x180;
	s10 =	sadd.s32 @!p2 $0x1E, s10  }
0x1ce: {  	[tilespmem:s12], [sflag:$0x4] =	stream.linear.gather @!p2 [hbm4b:s10+s24], $0x50, $0x38;
	[tilespmem:$0x1E200] =	vst v63  }
0x1cf: {  	p1 =	seq.s32 s16, $0x4D8;
	s19 =	simm.s32 @!p2 $0x7A00  }
0x1d0: {  	[tilespmem:s19], [sflag:$0x6] =	stream.linear.gather @!p2 [hbm4b:s15+s24], $0x2800, $0x38;
	[tilespmem:$0x1E200] =	vst v63  }
.Ltmp6:
0x1d1: {  	_ = 	snop;
	(pc) =	sbr.rel @!p1 .LBB2_5-.Ltmp6, $4  }
0x1d2: {  	s12 =	rddreg [dreg:$0x0];
	_ =	swait.ge [sflag:s13], $0x2800  }
0x1d3: {  	[sflag:s13] =	ssyncset.done $0x0  }
0x1d4: {  	s24 =	simm.s32 $0x80;
	[sflag:s13] =	ssyncadd.s32 $0xFFFFD800  }
0x1d5: {  	[spmem:s26] =	stream.indirect.scatter.add.f32 [tilespmem:s4], [sflag:$0x9], $0x80, s20, s9, $0xb8;
	[tilespmem:$0x1E200] =	vst v63  }
.Ltmp7:
0x1d6: {  	_ = 	snop;
	(pc) =	sbr.rel .LBB2_6-.Ltmp7, $1  }
0x1d7: {  	_ =	sdelay $0x3  }
.LBB2_11:
0x1d8: {  	_ =	sfence.sel $0x180000  }
0x1d9: {  	[bflag:$0x0] =	sbarrier.arrive $0xFFFF  }
0x1da: {  	_ =	strace $0x90000047  }
0x1db: {  	s0 =	stileid.u32;
	[bflag:$0x2] =	sbarrier.arrive $0xFFFF  }
0x1dc: {  	p0 =	sne.s32 s0, $0x0;
	s0 =	rddreg [dreg:$0x7]  }
0x1dd: {  	s0 =	sadd.s32 @!p0 $0x100000, s0  }
0x1de: {  	[sflag:s0] =	ssyncadd.tile.s32 @!p0 $0x1;
	_ =	shalt  }
.Lfunc_end2:
_tile_overlayer_lowered:
.L_overlay_start_2:
0x1df: {  	(tag) =	ssettag $0x2  }
0x1e0: {  	s0 =	rddreg [dreg:$0x0];
	s2 =	stileid.u32  }
0x1e1: {  	s1 =	rddreg [dreg:$0x1];
	p0 =	sne.s32 s2, $0x0  }
0x1e2: {  	s3 =	rddreg [dreg:$0x2];
	[bflag:$0x3] =	sbarrier.arrive $0xFFFF;
	s2 =	simm.s32 @!p0 $0x1C0D  }
0x1e3: {  	[timem:s3], [sflag:s2] =	dma.local @!p0 [hbm:s0], s1  }
0x1e4: {  	s0 =	simm.s32 @!p0 $0xD  }
0x1e5: {  	_ =	swait.ge @!p0 [sflag:s0], s1  }
0x1e6: {  	s1 =	ssub.s32 @!p0 $0x0, s1;
	[sflag:s0] =	ssyncset.done @!p0 $0x0  }
0x1e7: {  	[sflag:s0] =	ssyncadd.s32 @!p0 s1  }
0x1e8: {  	[bflag:$0x3] =	sbarrier.arrive $0xFFFF  }
0x1e9: {  	_ =	shalt  }

</sc_bundles>
